<compile_context>
chip_gen: v7x
topology: tpu7x:2x2x1
jax: 0.10.2.dev20260603
libtpu: 0.0.44.dev20260713+nightly
codegen_flags: <defaults>
</compile_context>

<pallas_src>
import functools

import jax
import jax.numpy as jnp
from jax import lax
from jax.experimental import pallas as pl
from jax.experimental.pallas import tpu as pltpu
from jax.experimental.pallas import tpu_sc as plsc

N_ROWS = 64
N_COLS = 32768
NUM_CORES = 2
NUM_SUBCORES = 16
NUM_WORKERS = NUM_CORES * NUM_SUBCORES
SC_ROWS = NUM_WORKERS
TC_ROWS = N_ROWS - SC_ROWS
LANES = 16
UNROLL = 8
ITERS_PER_ROW = N_COLS // (UNROLL * LANES)
TC_BLOCK = 4096
TC_STEPS = N_COLS // TC_BLOCK

_mesh = plsc.VectorSubcoreMesh(core_axis_name="c", subcore_axis_name="s")


def _lex_min(av, ai, bv, bi):
    upd = (bv < av) | ((bv == av) & (bi < ai))
    return jnp.where(upd, bv, av), jnp.where(upd, bi, ai)


@functools.partial(
    pl.kernel,
    mesh=_mesh,
    out_type=jax.ShapeDtypeStruct((NUM_WORKERS, LANES), jnp.int32),
    scratch_types=[
        pltpu.VMEM((N_COLS,), jnp.float32),
        pltpu.VMEM((LANES,), jnp.int32),
        pltpu.SemaphoreType.DMA,
    ],
)
def _argmin_sc(x_hbm, out_hbm, buf, res_v, sem):
    wid = lax.axis_index("s") * NUM_CORES + lax.axis_index("c")
    pltpu.async_copy(x_hbm.at[wid], buf, sem).wait()

    lane_iota = lax.iota(jnp.int32, LANES)

    def row_body(it, carry):
        acc = list(carry)
        git_vec = jnp.full((LANES,), it, jnp.int32)
        off = it * (UNROLL * LANES)
        for u in range(UNROLL):
            bv, bi = acc[2 * u], acc[2 * u + 1]
            v = buf[pl.ds(off + u * LANES, LANES)]
            upd = v < bv
            acc[2 * u] = jnp.where(upd, v, bv)
            acc[2 * u + 1] = jnp.where(upd, git_vec, bi)
        return tuple(acc)

    init = []
    for _ in range(UNROLL):
        init += [jnp.full((LANES,), jnp.inf, jnp.float32),
                 jnp.zeros((LANES,), jnp.int32)]
    carry = lax.fori_loop(0, ITERS_PER_ROW, row_body, tuple(init))

    mv, mi = None, None
    for u in range(UNROLL):
        gidx = carry[2 * u + 1] * (UNROLL * LANES) + (lane_iota + u * LANES)
        if mv is None:
            mv, mi = carry[2 * u], gidx
        else:
            mv, mi = _lex_min(mv, mi, carry[2 * u], gidx)

    for shift in (8, 4, 2, 1):
        partner = lane_iota ^ shift
        pv = mv.at[partner].get(mode="promise_in_bounds", unique_indices=True)
        pi = mi.at[partner].get(mode="promise_in_bounds", unique_indices=True)
        mv, mi = _lex_min(mv, mi, pv, pi)

    res_v[...] = mi
    pltpu.sync_copy(res_v, out_hbm.at[wid])


_TC_SUB = TC_BLOCK // 128


def _argmin_tc_body(x_ref, out_ref, run_min, run_arg):
    i = pl.program_id(0)
    rm = x_ref[:, pl.ds(0, 128)]
    ra = jnp.full((TC_ROWS, 128), i * _TC_SUB, jnp.int32)
    for s in range(1, _TC_SUB):
        vs = x_ref[:, pl.ds(s * 128, 128)]
        upd = vs < rm
        rm = jnp.where(upd, vs, rm)
        ra = jnp.where(upd, jnp.int32(i * _TC_SUB + s), ra)

    @pl.when(i == 0)
    def _():
        run_min[...] = rm
        run_arg[...] = ra

    @pl.when(i > 0)
    def _():
        prev_min = run_min[...]
        prev_arg = run_arg[...]
        upd = rm < prev_min
        run_min[...] = jnp.where(upd, rm, prev_min)
        run_arg[...] = jnp.where(upd, ra, prev_arg)

    @pl.when(i == TC_STEPS - 1)
    def _():
        gmin = run_min[...]
        col = run_arg[...] * 128 + lax.broadcasted_iota(
            jnp.int32, (TC_ROWS, 128), 1)
        m = jnp.min(gmin, axis=1, keepdims=True)
        out_ref[...] = jnp.min(
            jnp.where(gmin == m, col, jnp.int32(2**30)),
            axis=1, keepdims=True)


_argmin_tc = pl.pallas_call(
    _argmin_tc_body,
    grid=(TC_STEPS,),
    in_specs=[pl.BlockSpec((TC_ROWS, TC_BLOCK), lambda i: (1, i))],
    out_specs=pl.BlockSpec((TC_ROWS, 1), lambda i: (0, 0)),
    out_shape=jax.ShapeDtypeStruct((TC_ROWS, 1), jnp.int32),
    scratch_shapes=[
        pltpu.VMEM((TC_ROWS, 128), jnp.float32),
        pltpu.VMEM((TC_ROWS, 128), jnp.int32),
    ],
)


def kernel(x):
    sc2d = _argmin_sc(x)
    tc2d = _argmin_tc(x)
    return jnp.concatenate([sc2d[:, 0], tc2d[:, 0]])

# --- scband reference (transcript-rebuilt; emitter-appended) ---
"""Pipeline reference for scband-model-83330955477256 (READ-ONLY COPY).

The authoritative reference and input builder live on the scoring server;
editing this copy changes nothing except your own understanding.
"""

import jax, jax.numpy as jnp
import numpy as np

def setup_inputs(seed: int = 0) -> dict:
    key = jax.random.key(seed)
    x = jax.random.normal(key, (64, 32768), dtype=jnp.float32)
    return {"x": x}

def reference(x):
    # torch.argmin(x, dim=1) -> indices of minimum along dim 1
    return jnp.argmin(x, axis=1)

if __name__ == "__main__":
    import jax
    _d = setup_inputs()
    print(jax.jit(kernel)(*tuple(_d.values())))

</pallas_src>

<mosaic_0001>
#map = affine_map<(d0, d1) -> (0, 0)>
module attributes {stable_mosaic.version = 14 : i64} {
  func.func @_argmin_sc(%arg0: i32, %arg1: i32, %arg2: memref<64x32768xf32, #tpu.memory_space<hbm>>, %arg3: memref<32x16xi32, #tpu.memory_space<hbm>>, %arg4: memref<32768xf32, #tpu.memory_space<vmem>>, %arg5: memref<16xi32, #tpu.memory_space<vmem>>, %arg6: memref<!tpu.dma_semaphore, #tpu.memory_space<semaphore_mem>>) attributes {dimension_semantics = [#tpu.dimension_semantics<core_parallel>, #tpu.dimension_semantics<subcore_parallel>], iteration_bounds = array<i64: 2, 16>, scalar_prefetch = 0 : i64, scratch_operands = 3 : i64, tpu.core_type = #tpu.core_type<sc_vector_subcore>, window_params = [{transform_indices = #map}, {transform_indices = #map}]} {
    %mul3A = arith.constant 2 : i32
    %mul3A_0 = arith.muli %arg1, %mul3A : i32
    %add3A = arith.addi %mul3A_0, %arg0 : i32
    %dma_start3A = arith.constant 0 : i32
    %dma_start3A_1 = tpu.memref_slice %arg2[%add3A, %dma_start3A] : memref<64x32768xf32, #tpu.memory_space<hbm>> -> memref<1x32768xf32, #tpu.memory_space<hbm>>
    %dma_start3A_2 = tpu.memref_squeeze %dma_start3A_1 : memref<1x32768xf32, #tpu.memory_space<hbm>> -> memref<32768xf32, #tpu.memory_space<hbm>>
    %dma_start3A_3 = arith.constant 0 : i32
    %dma_start3A_4 = tpu.memref_slice %arg2[%add3A, %dma_start3A_3] : memref<64x32768xf32, #tpu.memory_space<hbm>> -> memref<1x32768xf32, #tpu.memory_space<hbm>>
    %dma_start3A_5 = tpu.memref_squeeze %dma_start3A_4 : memref<1x32768xf32, #tpu.memory_space<hbm>> -> memref<32768xf32, #tpu.memory_space<hbm>>
    tpu.enqueue_dma source(%dma_start3A_5 : memref<32768xf32, #tpu.memory_space<hbm>>) target(%arg4 : memref<32768xf32, #tpu.memory_space<vmem>>) target_semaphore(%arg6 : memref<!tpu.dma_semaphore, #tpu.memory_space<semaphore_mem>>)
    %dma_wait3A = arith.constant 0 : i32
    %dma_wait3A_6 = tpu.memref_slice %arg2[%add3A, %dma_wait3A] : memref<64x32768xf32, #tpu.memory_space<hbm>> -> memref<1x32768xf32, #tpu.memory_space<hbm>>
    %dma_wait3A_7 = tpu.memref_squeeze %dma_wait3A_6 : memref<1x32768xf32, #tpu.memory_space<hbm>> -> memref<32768xf32, #tpu.memory_space<hbm>>
    %dma_wait3A_8 = arith.constant 0 : i32
    %dma_wait3A_9 = tpu.memref_slice %arg2[%add3A, %dma_wait3A_8] : memref<64x32768xf32, #tpu.memory_space<hbm>> -> memref<1x32768xf32, #tpu.memory_space<hbm>>
    %dma_wait3A_10 = tpu.memref_squeeze %dma_wait3A_9 : memref<1x32768xf32, #tpu.memory_space<hbm>> -> memref<32768xf32, #tpu.memory_space<hbm>>
    tpu.wait_dma2 semaphore(%arg6 : memref<!tpu.dma_semaphore, #tpu.memory_space<semaphore_mem>>) src(%dma_wait3A_10 : memref<32768xf32, #tpu.memory_space<hbm>>) dst(%arg4 : memref<32768xf32, #tpu.memory_space<vmem>>)
    %iota3A = tpu.iota {dimensions = array<i32: 0>} : vector<16xi32>
    %broadcast_in_dim3A = arith.constant 0x7F800000 : f32
    %broadcast_in_dim3A_11 = vector.broadcast %broadcast_in_dim3A : f32 to vector<16xf32>
    %broadcast_in_dim3A_12 = arith.constant 0 : i32
    %broadcast_in_dim3A_13 = vector.broadcast %broadcast_in_dim3A_12 : i32 to vector<16xi32>
    %broadcast_in_dim3A_14 = arith.constant 0x7F800000 : f32
    %broadcast_in_dim3A_15 = vector.broadcast %broadcast_in_dim3A_14 : f32 to vector<16xf32>
    %broadcast_in_dim3A_16 = arith.constant 0 : i32
    %broadcast_in_dim3A_17 = vector.broadcast %broadcast_in_dim3A_16 : i32 to vector<16xi32>
    %broadcast_in_dim3A_18 = arith.constant 0x7F800000 : f32
    %broadcast_in_dim3A_19 = vector.broadcast %broadcast_in_dim3A_18 : f32 to vector<16xf32>
    %broadcast_in_dim3A_20 = arith.constant 0 : i32
    %broadcast_in_dim3A_21 = vector.broadcast %broadcast_in_dim3A_20 : i32 to vector<16xi32>
    %broadcast_in_dim3A_22 = arith.constant 0x7F800000 : f32
    %broadcast_in_dim3A_23 = vector.broadcast %broadcast_in_dim3A_22 : f32 to vector<16xf32>
    %broadcast_in_dim3A_24 = arith.constant 0 : i32
    %broadcast_in_dim3A_25 = vector.broadcast %broadcast_in_dim3A_24 : i32 to vector<16xi32>
    %broadcast_in_dim3A_26 = arith.constant 0x7F800000 : f32
    %broadcast_in_dim3A_27 = vector.broadcast %broadcast_in_dim3A_26 : f32 to vector<16xf32>
    %broadcast_in_dim3A_28 = arith.constant 0 : i32
    %broadcast_in_dim3A_29 = vector.broadcast %broadcast_in_dim3A_28 : i32 to vector<16xi32>
    %broadcast_in_dim3A_30 = arith.constant 0x7F800000 : f32
    %broadcast_in_dim3A_31 = vector.broadcast %broadcast_in_dim3A_30 : f32 to vector<16xf32>
    %broadcast_in_dim3A_32 = arith.constant 0 : i32
    %broadcast_in_dim3A_33 = vector.broadcast %broadcast_in_dim3A_32 : i32 to vector<16xi32>
    %broadcast_in_dim3A_34 = arith.constant 0x7F800000 : f32
    %broadcast_in_dim3A_35 = vector.broadcast %broadcast_in_dim3A_34 : f32 to vector<16xf32>
    %broadcast_in_dim3A_36 = arith.constant 0 : i32
    %broadcast_in_dim3A_37 = vector.broadcast %broadcast_in_dim3A_36 : i32 to vector<16xi32>
    %broadcast_in_dim3A_38 = arith.constant 0x7F800000 : f32
    %broadcast_in_dim3A_39 = vector.broadcast %broadcast_in_dim3A_38 : f32 to vector<16xf32>
    %broadcast_in_dim3A_40 = arith.constant 0 : i32
    %broadcast_in_dim3A_41 = vector.broadcast %broadcast_in_dim3A_40 : i32 to vector<16xi32>
    %scan3A = arith.constant 0 : i32
    %scan3A_42 = arith.constant 256 : i32
    %scan3A_43 = arith.addi %scan3A, %scan3A_42 : i32
    %scan3A_44 = arith.constant 1 : i32
    %scan3A_45:16 = scf.for %scan3A_268 = %scan3A to %scan3A_43 step %scan3A_44 iter_args(%scan3A_269 = %broadcast_in_dim3A_11, %scan3A_270 = %broadcast_in_dim3A_13, %scan3A_271 = %broadcast_in_dim3A_15, %scan3A_272 = %broadcast_in_dim3A_17, %scan3A_273 = %broadcast_in_dim3A_19, %scan3A_274 = %broadcast_in_dim3A_21, %scan3A_275 = %broadcast_in_dim3A_23, %scan3A_276 = %broadcast_in_dim3A_25, %scan3A_277 = %broadcast_in_dim3A_27, %scan3A_278 = %broadcast_in_dim3A_29, %scan3A_279 = %broadcast_in_dim3A_31, %scan3A_280 = %broadcast_in_dim3A_33, %scan3A_281 = %broadcast_in_dim3A_35, %scan3A_282 = %broadcast_in_dim3A_37, %scan3A_283 = %broadcast_in_dim3A_39, %scan3A_284 = %broadcast_in_dim3A_41) -> (vector<16xf32>, vector<16xi32>, vector<16xf32>, vector<16xi32>, vector<16xf32>, vector<16xi32>, vector<16xf32>, vector<16xi32>, vector<16xf32>, vector<16xi32>, vector<16xf32>, vector<16xi32>, vector<16xf32>, vector<16xi32>, vector<16xf32>, vector<16xi32>)  : i32 {
      %broadcast_in_dim3A_285 = vector.broadcast %scan3A_268 : i32 to vector<16xi32>
      %mul3A_286 = arith.constant 128 : i32
      %mul3A_287 = arith.muli %scan3A_268, %mul3A_286 : i32
      %add3A_288 = arith.constant 0 : i32
      %add3A_289 = arith.addi %mul3A_287, %add3A_288 : i32
      %get3A = arith.index_cast %add3A_289 : i32 to index
      %get3A_290 = tpu.vector_load %arg4[%get3A] {strides = array<i32>} : memref<32768xf32, #tpu.memory_space<vmem>>, vector<16xf32>,
      %get3A_291 = vector.shape_cast %get3A_290 : vector<16xf32> to vector<16xf32>
      %lt3A_292 = arith.cmpf olt, %get3A_291, %scan3A_269 : vector<16xf32>
      %select_n3A_293 = arith.select %lt3A_292, %get3A_291, %scan3A_269 : vector<16xi1>, vector<16xf32>
      %select_n3A_294 = arith.select %lt3A_292, %broadcast_in_dim3A_285, %scan3A_270 : vector<16xi1>, vector<16xi32>
      %add3A_295 = arith.constant 16 : i32
      %add3A_296 = arith.addi %mul3A_287, %add3A_295 : i32
      %get3A_297 = arith.index_cast %add3A_296 : i32 to index
      %get3A_298 = tpu.vector_load %arg4[%get3A_297] {strides = array<i32>} : memref<32768xf32, #tpu.memory_space<vmem>>, vector<16xf32>,
      %get3A_299 = vector.shape_cast %get3A_298 : vector<16xf32> to vector<16xf32>
      %lt3A_300 = arith.cmpf olt, %get3A_299, %scan3A_271 : vector<16xf32>
      %select_n3A_301 = arith.select %lt3A_300, %get3A_299, %scan3A_271 : vector<16xi1>, vector<16xf32>
      %select_n3A_302 = arith.select %lt3A_300, %broadcast_in_dim3A_285, %scan3A_272 : vector<16xi1>, vector<16xi32>
      %add3A_303 = arith.constant 32 : i32
      %add3A_304 = arith.addi %mul3A_287, %add3A_303 : i32
      %get3A_305 = arith.index_cast %add3A_304 : i32 to index
      %get3A_306 = tpu.vector_load %arg4[%get3A_305] {strides = array<i32>} : memref<32768xf32, #tpu.memory_space<vmem>>, vector<16xf32>,
      %get3A_307 = vector.shape_cast %get3A_306 : vector<16xf32> to vector<16xf32>
      %lt3A_308 = arith.cmpf olt, %get3A_307, %scan3A_273 : vector<16xf32>
      %select_n3A_309 = arith.select %lt3A_308, %get3A_307, %scan3A_273 : vector<16xi1>, vector<16xf32>
      %select_n3A_310 = arith.select %lt3A_308, %broadcast_in_dim3A_285, %scan3A_274 : vector<16xi1>, vector<16xi32>
      %add3A_311 = arith.constant 48 : i32
      %add3A_312 = arith.addi %mul3A_287, %add3A_311 : i32
      %get3A_313 = arith.index_cast %add3A_312 : i32 to index
      %get3A_314 = tpu.vector_load %arg4[%get3A_313] {strides = array<i32>} : memref<32768xf32, #tpu.memory_space<vmem>>, vector<16xf32>,
      %get3A_315 = vector.shape_cast %get3A_314 : vector<16xf32> to vector<16xf32>
      %lt3A_316 = arith.cmpf olt, %get3A_315, %scan3A_275 : vector<16xf32>
      %select_n3A_317 = arith.select %lt3A_316, %get3A_315, %scan3A_275 : vector<16xi1>, vector<16xf32>
      %select_n3A_318 = arith.select %lt3A_316, %broadcast_in_dim3A_285, %scan3A_276 : vector<16xi1>, vector<16xi32>
      %add3A_319 = arith.constant 64 : i32
      %add3A_320 = arith.addi %mul3A_287, %add3A_319 : i32
      %get3A_321 = arith.index_cast %add3A_320 : i32 to index
      %get3A_322 = tpu.vector_load %arg4[%get3A_321] {strides = array<i32>} : memref<32768xf32, #tpu.memory_space<vmem>>, vector<16xf32>,
      %get3A_323 = vector.shape_cast %get3A_322 : vector<16xf32> to vector<16xf32>
      %lt3A_324 = arith.cmpf olt, %get3A_323, %scan3A_277 : vector<16xf32>
      %select_n3A_325 = arith.select %lt3A_324, %get3A_323, %scan3A_277 : vector<16xi1>, vector<16xf32>
      %select_n3A_326 = arith.select %lt3A_324, %broadcast_in_dim3A_285, %scan3A_278 : vector<16xi1>, vector<16xi32>
      %add3A_327 = arith.constant 80 : i32
      %add3A_328 = arith.addi %mul3A_287, %add3A_327 : i32
      %get3A_329 = arith.index_cast %add3A_328 : i32 to index
      %get3A_330 = tpu.vector_load %arg4[%get3A_329] {strides = array<i32>} : memref<32768xf32, #tpu.memory_space<vmem>>, vector<16xf32>,
      %get3A_331 = vector.shape_cast %get3A_330 : vector<16xf32> to vector<16xf32>
      %lt3A_332 = arith.cmpf olt, %get3A_331, %scan3A_279 : vector<16xf32>
      %select_n3A_333 = arith.select %lt3A_332, %get3A_331, %scan3A_279 : vector<16xi1>, vector<16xf32>
      %select_n3A_334 = arith.select %lt3A_332, %broadcast_in_dim3A_285, %scan3A_280 : vector<16xi1>, vector<16xi32>
      %add3A_335 = arith.constant 96 : i32
      %add3A_336 = arith.addi %mul3A_287, %add3A_335 : i32
      %get3A_337 = arith.index_cast %add3A_336 : i32 to index
      %get3A_338 = tpu.vector_load %arg4[%get3A_337] {strides = array<i32>} : memref<32768xf32, #tpu.memory_space<vmem>>, vector<16xf32>,
      %get3A_339 = vector.shape_cast %get3A_338 : vector<16xf32> to vector<16xf32>
      %lt3A_340 = arith.cmpf olt, %get3A_339, %scan3A_281 : vector<16xf32>
      %select_n3A_341 = arith.select %lt3A_340, %get3A_339, %scan3A_281 : vector<16xi1>, vector<16xf32>
      %select_n3A_342 = arith.select %lt3A_340, %broadcast_in_dim3A_285, %scan3A_282 : vector<16xi1>, vector<16xi32>
      %add3A_343 = arith.constant 112 : i32
      %add3A_344 = arith.addi %mul3A_287, %add3A_343 : i32
      %get3A_345 = arith.index_cast %add3A_344 : i32 to index
      %get3A_346 = tpu.vector_load %arg4[%get3A_345] {strides = array<i32>} : memref<32768xf32, #tpu.memory_space<vmem>>, vector<16xf32>,
      %get3A_347 = vector.shape_cast %get3A_346 : vector<16xf32> to vector<16xf32>
      %lt3A_348 = arith.cmpf olt, %get3A_347, %scan3A_283 : vector<16xf32>
      %select_n3A_349 = arith.select %lt3A_348, %get3A_347, %scan3A_283 : vector<16xi1>, vector<16xf32>
      %select_n3A_350 = arith.select %lt3A_348, %broadcast_in_dim3A_285, %scan3A_284 : vector<16xi1>, vector<16xi32>
      scf.yield %select_n3A_293, %select_n3A_294, %select_n3A_301, %select_n3A_302, %select_n3A_309, %select_n3A_310, %select_n3A_317, %select_n3A_318, %select_n3A_325, %select_n3A_326, %select_n3A_333, %select_n3A_334, %select_n3A_341, %select_n3A_342, %select_n3A_349, %select_n3A_350 : vector<16xf32>, vector<16xi32>, vector<16xf32>, vector<16xi32>, vector<16xf32>, vector<16xi32>, vector<16xf32>, vector<16xi32>, vector<16xf32>, vector<16xi32>, vector<16xf32>, vector<16xi32>, vector<16xf32>, vector<16xi32>, vector<16xf32>, vector<16xi32>
    }
    %scan3A_46 = arith.constant 256 : i32
    %mul3A_47 = arith.constant 128 : i32
    %mul3A_48 = vector.broadcast %mul3A_47 : i32 to vector<16xi32>
    %mul3A_49 = arith.muli %scan3A_45#1, %mul3A_48 : vector<16xi32>
    %add3A_50 = arith.constant 0 : i32
    %add3A_51 = vector.broadcast %add3A_50 : i32 to vector<16xi32>
    %add3A_52 = arith.addi %iota3A, %add3A_51 : vector<16xi32>
    %add3A_53 = arith.addi %mul3A_49, %add3A_52 : vector<16xi32>
    %mul3A_54 = arith.constant 128 : i32
    %mul3A_55 = vector.broadcast %mul3A_54 : i32 to vector<16xi32>
    %mul3A_56 = arith.muli %scan3A_45#3, %mul3A_55 : vector<16xi32>
    %add3A_57 = arith.constant 16 : i32
    %add3A_58 = vector.broadcast %add3A_57 : i32 to vector<16xi32>
    %add3A_59 = arith.addi %iota3A, %add3A_58 : vector<16xi32>
    %add3A_60 = arith.addi %mul3A_56, %add3A_59 : vector<16xi32>
    %lt3A = arith.cmpf olt, %scan3A_45#2, %scan3A_45#0 : vector<16xf32>
    %eq3A = arith.cmpf oeq, %scan3A_45#2, %scan3A_45#0 : vector<16xf32>
    %lt3A_61 = arith.cmpi slt, %add3A_60, %add3A_53 : vector<16xi32>
    %and3A = arith.andi %eq3A, %lt3A_61 : vector<16xi1>
    %or3A = arith.ori %lt3A, %and3A : vector<16xi1>
    %select_n3A = arith.select %or3A, %scan3A_45#2, %scan3A_45#0 : vector<16xi1>, vector<16xf32>
    %select_n3A_62 = arith.select %or3A, %add3A_60, %add3A_53 : vector<16xi1>, vector<16xi32>
    %mul3A_63 = arith.constant 128 : i32
    %mul3A_64 = vector.broadcast %mul3A_63 : i32 to vector<16xi32>
    %mul3A_65 = arith.muli %scan3A_45#5, %mul3A_64 : vector<16xi32>
    %add3A_66 = arith.constant 32 : i32
    %add3A_67 = vector.broadcast %add3A_66 : i32 to vector<16xi32>
    %add3A_68 = arith.addi %iota3A, %add3A_67 : vector<16xi32>
    %add3A_69 = arith.addi %mul3A_65, %add3A_68 : vector<16xi32>
    %lt3A_70 = arith.cmpf olt, %scan3A_45#4, %select_n3A : vector<16xf32>
    %eq3A_71 = arith.cmpf oeq, %scan3A_45#4, %select_n3A : vector<16xf32>
    %lt3A_72 = arith.cmpi slt, %add3A_69, %select_n3A_62 : vector<16xi32>
    %and3A_73 = arith.andi %eq3A_71, %lt3A_72 : vector<16xi1>
    %or3A_74 = arith.ori %lt3A_70, %and3A_73 : vector<16xi1>
    %select_n3A_75 = arith.select %or3A_74, %scan3A_45#4, %select_n3A : vector<16xi1>, vector<16xf32>
    %select_n3A_76 = arith.select %or3A_74, %add3A_69, %select_n3A_62 : vector<16xi1>, vector<16xi32>
    %mul3A_77 = arith.constant 128 : i32
    %mul3A_78 = vector.broadcast %mul3A_77 : i32 to vector<16xi32>
    %mul3A_79 = arith.muli %scan3A_45#7, %mul3A_78 : vector<16xi32>
    %add3A_80 = arith.constant 48 : i32
    %add3A_81 = vector.broadcast %add3A_80 : i32 to vector<16xi32>
    %add3A_82 = arith.addi %iota3A, %add3A_81 : vector<16xi32>
    %add3A_83 = arith.addi %mul3A_79, %add3A_82 : vector<16xi32>
    %lt3A_84 = arith.cmpf olt, %scan3A_45#6, %select_n3A_75 : vector<16xf32>
    %eq3A_85 = arith.cmpf oeq, %scan3A_45#6, %select_n3A_75 : vector<16xf32>
    %lt3A_86 = arith.cmpi slt, %add3A_83, %select_n3A_76 : vector<16xi32>
    %and3A_87 = arith.andi %eq3A_85, %lt3A_86 : vector<16xi1>
    %or3A_88 = arith.ori %lt3A_84, %and3A_87 : vector<16xi1>
    %select_n3A_89 = arith.select %or3A_88, %scan3A_45#6, %select_n3A_75 : vector<16xi1>, vector<16xf32>
    %select_n3A_90 = arith.select %or3A_88, %add3A_83, %select_n3A_76 : vector<16xi1>, vector<16xi32>
    %mul3A_91 = arith.constant 128 : i32
    %mul3A_92 = vector.broadcast %mul3A_91 : i32 to vector<16xi32>
    %mul3A_93 = arith.muli %scan3A_45#9, %mul3A_92 : vector<16xi32>
    %add3A_94 = arith.constant 64 : i32
    %add3A_95 = vector.broadcast %add3A_94 : i32 to vector<16xi32>
    %add3A_96 = arith.addi %iota3A, %add3A_95 : vector<16xi32>
    %add3A_97 = arith.addi %mul3A_93, %add3A_96 : vector<16xi32>
    %lt3A_98 = arith.cmpf olt, %scan3A_45#8, %select_n3A_89 : vector<16xf32>
    %eq3A_99 = arith.cmpf oeq, %scan3A_45#8, %select_n3A_89 : vector<16xf32>
    %lt3A_100 = arith.cmpi slt, %add3A_97, %select_n3A_90 : vector<16xi32>
    %and3A_101 = arith.andi %eq3A_99, %lt3A_100 : vector<16xi1>
    %or3A_102 = arith.ori %lt3A_98, %and3A_101 : vector<16xi1>
    %select_n3A_103 = arith.select %or3A_102, %scan3A_45#8, %select_n3A_89 : vector<16xi1>, vector<16xf32>
    %select_n3A_104 = arith.select %or3A_102, %add3A_97, %select_n3A_90 : vector<16xi1>, vector<16xi32>
    %mul3A_105 = arith.constant 128 : i32
    %mul3A_106 = vector.broadcast %mul3A_105 : i32 to vector<16xi32>
    %mul3A_107 = arith.muli %scan3A_45#11, %mul3A_106 : vector<16xi32>
    %add3A_108 = arith.constant 80 : i32
    %add3A_109 = vector.broadcast %add3A_108 : i32 to vector<16xi32>
    %add3A_110 = arith.addi %iota3A, %add3A_109 : vector<16xi32>
    %add3A_111 = arith.addi %mul3A_107, %add3A_110 : vector<16xi32>
    %lt3A_112 = arith.cmpf olt, %scan3A_45#10, %select_n3A_103 : vector<16xf32>
    %eq3A_113 = arith.cmpf oeq, %scan3A_45#10, %select_n3A_103 : vector<16xf32>
    %lt3A_114 = arith.cmpi slt, %add3A_111, %select_n3A_104 : vector<16xi32>
    %and3A_115 = arith.andi %eq3A_113, %lt3A_114 : vector<16xi1>
    %or3A_116 = arith.ori %lt3A_112, %and3A_115 : vector<16xi1>
    %select_n3A_117 = arith.select %or3A_116, %scan3A_45#10, %select_n3A_103 : vector<16xi1>, vector<16xf32>
    %select_n3A_118 = arith.select %or3A_116, %add3A_111, %select_n3A_104 : vector<16xi1>, vector<16xi32>
    %mul3A_119 = arith.constant 128 : i32
    %mul3A_120 = vector.broadcast %mul3A_119 : i32 to vector<16xi32>
    %mul3A_121 = arith.muli %scan3A_45#13, %mul3A_120 : vector<16xi32>
    %add3A_122 = arith.constant 96 : i32
    %add3A_123 = vector.broadcast %add3A_122 : i32 to vector<16xi32>
    %add3A_124 = arith.addi %iota3A, %add3A_123 : vector<16xi32>
    %add3A_125 = arith.addi %mul3A_121, %add3A_124 : vector<16xi32>
    %lt3A_126 = arith.cmpf olt, %scan3A_45#12, %select_n3A_117 : vector<16xf32>
    %eq3A_127 = arith.cmpf oeq, %scan3A_45#12, %select_n3A_117 : vector<16xf32>
    %lt3A_128 = arith.cmpi slt, %add3A_125, %select_n3A_118 : vector<16xi32>
    %and3A_129 = arith.andi %eq3A_127, %lt3A_128 : vector<16xi1>
    %or3A_130 = arith.ori %lt3A_126, %and3A_129 : vector<16xi1>
    %select_n3A_131 = arith.select %or3A_130, %scan3A_45#12, %select_n3A_117 : vector<16xi1>, vector<16xf32>
    %select_n3A_132 = arith.select %or3A_130, %add3A_125, %select_n3A_118 : vector<16xi1>, vector<16xi32>
    %mul3A_133 = arith.constant 128 : i32
    %mul3A_134 = vector.broadcast %mul3A_133 : i32 to vector<16xi32>
    %mul3A_135 = arith.muli %scan3A_45#15, %mul3A_134 : vector<16xi32>
    %add3A_136 = arith.constant 112 : i32
    %add3A_137 = vector.broadcast %add3A_136 : i32 to vector<16xi32>
    %add3A_138 = arith.addi %iota3A, %add3A_137 : vector<16xi32>
    %add3A_139 = arith.addi %mul3A_135, %add3A_138 : vector<16xi32>
    %lt3A_140 = arith.cmpf olt, %scan3A_45#14, %select_n3A_131 : vector<16xf32>
    %eq3A_141 = arith.cmpf oeq, %scan3A_45#14, %select_n3A_131 : vector<16xf32>
    %lt3A_142 = arith.cmpi slt, %add3A_139, %select_n3A_132 : vector<16xi32>
    %and3A_143 = arith.andi %eq3A_141, %lt3A_142 : vector<16xi1>
    %or3A_144 = arith.ori %lt3A_140, %and3A_143 : vector<16xi1>
    %select_n3A_145 = arith.select %or3A_144, %scan3A_45#14, %select_n3A_131 : vector<16xi1>, vector<16xf32>
    %select_n3A_146 = arith.select %or3A_144, %add3A_139, %select_n3A_132 : vector<16xi1>, vector<16xi32>
    %xor3A = arith.constant 8 : i32
    %xor3A_147 = vector.broadcast %xor3A : i32 to vector<16xi32>
    %xor3A_148 = arith.xori %iota3A, %xor3A_147 : vector<16xi32>
    %lt3A_149 = arith.constant 0 : i32
    %lt3A_150 = vector.broadcast %lt3A_149 : i32 to vector<16xi32>
    %lt3A_151 = arith.cmpi slt, %xor3A_148, %lt3A_150 : vector<16xi32>
    %add3A_152 = arith.constant 16 : i32
    %add3A_153 = vector.broadcast %add3A_152 : i32 to vector<16xi32>
    %add3A_154 = arith.addi %xor3A_148, %add3A_153 : vector<16xi32>
    %select_n3A_155 = arith.select %lt3A_151, %add3A_154, %xor3A_148 : vector<16xi1>, vector<16xi32>
    %broadcast_in_dim3A_156 = vector.shape_cast %select_n3A_155 : vector<16xi32> to vector<16x1xi32>
    %gather3A = vector.shape_cast %broadcast_in_dim3A_156 : vector<16x1xi32> to vector<16xi32>
    %gather3A_157 = tpu.dynamic_gather %select_n3A_145[%gather3A] in [0] : vector<16xf32>, vector<16xi32> -> vector<16xf32>
    %lt3A_158 = arith.constant 0 : i32
    %lt3A_159 = vector.broadcast %lt3A_158 : i32 to vector<16xi32>
    %lt3A_160 = arith.cmpi slt, %xor3A_148, %lt3A_159 : vector<16xi32>
    %add3A_161 = arith.constant 16 : i32
    %add3A_162 = vector.broadcast %add3A_161 : i32 to vector<16xi32>
    %add3A_163 = arith.addi %xor3A_148, %add3A_162 : vector<16xi32>
    %select_n3A_164 = arith.select %lt3A_160, %add3A_163, %xor3A_148 : vector<16xi1>, vector<16xi32>
    %broadcast_in_dim3A_165 = vector.shape_cast %select_n3A_164 : vector<16xi32> to vector<16x1xi32>
    %gather3A_166 = vector.shape_cast %broadcast_in_dim3A_165 : vector<16x1xi32> to vector<16xi32>
    %gather3A_167 = tpu.dynamic_gather %select_n3A_146[%gather3A_166] in [0] : vector<16xi32>, vector<16xi32> -> vector<16xi32>
    %lt3A_168 = arith.cmpf olt, %gather3A_157, %select_n3A_145 : vector<16xf32>
    %eq3A_169 = arith.cmpf oeq, %gather3A_157, %select_n3A_145 : vector<16xf32>
    %lt3A_170 = arith.cmpi slt, %gather3A_167, %select_n3A_146 : vector<16xi32>
    %and3A_171 = arith.andi %eq3A_169, %lt3A_170 : vector<16xi1>
    %or3A_172 = arith.ori %lt3A_168, %and3A_171 : vector<16xi1>
    %select_n3A_173 = arith.select %or3A_172, %gather3A_157, %select_n3A_145 : vector<16xi1>, vector<16xf32>
    %select_n3A_174 = arith.select %or3A_172, %gather3A_167, %select_n3A_146 : vector<16xi1>, vector<16xi32>
    %xor3A_175 = arith.constant 4 : i32
    %xor3A_176 = vector.broadcast %xor3A_175 : i32 to vector<16xi32>
    %xor3A_177 = arith.xori %iota3A, %xor3A_176 : vector<16xi32>
    %lt3A_178 = arith.constant 0 : i32
    %lt3A_179 = vector.broadcast %lt3A_178 : i32 to vector<16xi32>
    %lt3A_180 = arith.cmpi slt, %xor3A_177, %lt3A_179 : vector<16xi32>
    %add3A_181 = arith.constant 16 : i32
    %add3A_182 = vector.broadcast %add3A_181 : i32 to vector<16xi32>
    %add3A_183 = arith.addi %xor3A_177, %add3A_182 : vector<16xi32>
    %select_n3A_184 = arith.select %lt3A_180, %add3A_183, %xor3A_177 : vector<16xi1>, vector<16xi32>
    %broadcast_in_dim3A_185 = vector.shape_cast %select_n3A_184 : vector<16xi32> to vector<16x1xi32>
    %gather3A_186 = vector.shape_cast %broadcast_in_dim3A_185 : vector<16x1xi32> to vector<16xi32>
    %gather3A_187 = tpu.dynamic_gather %select_n3A_173[%gather3A_186] in [0] : vector<16xf32>, vector<16xi32> -> vector<16xf32>
    %lt3A_188 = arith.constant 0 : i32
    %lt3A_189 = vector.broadcast %lt3A_188 : i32 to vector<16xi32>
    %lt3A_190 = arith.cmpi slt, %xor3A_177, %lt3A_189 : vector<16xi32>
    %add3A_191 = arith.constant 16 : i32
    %add3A_192 = vector.broadcast %add3A_191 : i32 to vector<16xi32>
    %add3A_193 = arith.addi %xor3A_177, %add3A_192 : vector<16xi32>
    %select_n3A_194 = arith.select %lt3A_190, %add3A_193, %xor3A_177 : vector<16xi1>, vector<16xi32>
    %broadcast_in_dim3A_195 = vector.shape_cast %select_n3A_194 : vector<16xi32> to vector<16x1xi32>
    %gather3A_196 = vector.shape_cast %broadcast_in_dim3A_195 : vector<16x1xi32> to vector<16xi32>
    %gather3A_197 = tpu.dynamic_gather %select_n3A_174[%gather3A_196] in [0] : vector<16xi32>, vector<16xi32> -> vector<16xi32>
    %lt3A_198 = arith.cmpf olt, %gather3A_187, %select_n3A_173 : vector<16xf32>
    %eq3A_199 = arith.cmpf oeq, %gather3A_187, %select_n3A_173 : vector<16xf32>
    %lt3A_200 = arith.cmpi slt, %gather3A_197, %select_n3A_174 : vector<16xi32>
    %and3A_201 = arith.andi %eq3A_199, %lt3A_200 : vector<16xi1>
    %or3A_202 = arith.ori %lt3A_198, %and3A_201 : vector<16xi1>
    %select_n3A_203 = arith.select %or3A_202, %gather3A_187, %select_n3A_173 : vector<16xi1>, vector<16xf32>
    %select_n3A_204 = arith.select %or3A_202, %gather3A_197, %select_n3A_174 : vector<16xi1>, vector<16xi32>
    %xor3A_205 = arith.constant 2 : i32
    %xor3A_206 = vector.broadcast %xor3A_205 : i32 to vector<16xi32>
    %xor3A_207 = arith.xori %iota3A, %xor3A_206 : vector<16xi32>
    %lt3A_208 = arith.constant 0 : i32
    %lt3A_209 = vector.broadcast %lt3A_208 : i32 to vector<16xi32>
    %lt3A_210 = arith.cmpi slt, %xor3A_207, %lt3A_209 : vector<16xi32>
    %add3A_211 = arith.constant 16 : i32
    %add3A_212 = vector.broadcast %add3A_211 : i32 to vector<16xi32>
    %add3A_213 = arith.addi %xor3A_207, %add3A_212 : vector<16xi32>
    %select_n3A_214 = arith.select %lt3A_210, %add3A_213, %xor3A_207 : vector<16xi1>, vector<16xi32>
    %broadcast_in_dim3A_215 = vector.shape_cast %select_n3A_214 : vector<16xi32> to vector<16x1xi32>
    %gather3A_216 = vector.shape_cast %broadcast_in_dim3A_215 : vector<16x1xi32> to vector<16xi32>
    %gather3A_217 = tpu.dynamic_gather %select_n3A_203[%gather3A_216] in [0] : vector<16xf32>, vector<16xi32> -> vector<16xf32>
    %lt3A_218 = arith.constant 0 : i32
    %lt3A_219 = vector.broadcast %lt3A_218 : i32 to vector<16xi32>
    %lt3A_220 = arith.cmpi slt, %xor3A_207, %lt3A_219 : vector<16xi32>
    %add3A_221 = arith.constant 16 : i32
    %add3A_222 = vector.broadcast %add3A_221 : i32 to vector<16xi32>
    %add3A_223 = arith.addi %xor3A_207, %add3A_222 : vector<16xi32>
    %select_n3A_224 = arith.select %lt3A_220, %add3A_223, %xor3A_207 : vector<16xi1>, vector<16xi32>
    %broadcast_in_dim3A_225 = vector.shape_cast %select_n3A_224 : vector<16xi32> to vector<16x1xi32>
    %gather3A_226 = vector.shape_cast %broadcast_in_dim3A_225 : vector<16x1xi32> to vector<16xi32>
    %gather3A_227 = tpu.dynamic_gather %select_n3A_204[%gather3A_226] in [0] : vector<16xi32>, vector<16xi32> -> vector<16xi32>
    %lt3A_228 = arith.cmpf olt, %gather3A_217, %select_n3A_203 : vector<16xf32>
    %eq3A_229 = arith.cmpf oeq, %gather3A_217, %select_n3A_203 : vector<16xf32>
    %lt3A_230 = arith.cmpi slt, %gather3A_227, %select_n3A_204 : vector<16xi32>
    %and3A_231 = arith.andi %eq3A_229, %lt3A_230 : vector<16xi1>
    %or3A_232 = arith.ori %lt3A_228, %and3A_231 : vector<16xi1>
    %select_n3A_233 = arith.select %or3A_232, %gather3A_217, %select_n3A_203 : vector<16xi1>, vector<16xf32>
    %select_n3A_234 = arith.select %or3A_232, %gather3A_227, %select_n3A_204 : vector<16xi1>, vector<16xi32>
    %xor3A_235 = arith.constant 1 : i32
    %xor3A_236 = vector.broadcast %xor3A_235 : i32 to vector<16xi32>
    %xor3A_237 = arith.xori %iota3A, %xor3A_236 : vector<16xi32>
    %lt3A_238 = arith.constant 0 : i32
    %lt3A_239 = vector.broadcast %lt3A_238 : i32 to vector<16xi32>
    %lt3A_240 = arith.cmpi slt, %xor3A_237, %lt3A_239 : vector<16xi32>
    %add3A_241 = arith.constant 16 : i32
    %add3A_242 = vector.broadcast %add3A_241 : i32 to vector<16xi32>
    %add3A_243 = arith.addi %xor3A_237, %add3A_242 : vector<16xi32>
    %select_n3A_244 = arith.select %lt3A_240, %add3A_243, %xor3A_237 : vector<16xi1>, vector<16xi32>
    %broadcast_in_dim3A_245 = vector.shape_cast %select_n3A_244 : vector<16xi32> to vector<16x1xi32>
    %gather3A_246 = vector.shape_cast %broadcast_in_dim3A_245 : vector<16x1xi32> to vector<16xi32>
    %gather3A_247 = tpu.dynamic_gather %select_n3A_233[%gather3A_246] in [0] : vector<16xf32>, vector<16xi32> -> vector<16xf32>
    %lt3A_248 = arith.constant 0 : i32
    %lt3A_249 = vector.broadcast %lt3A_248 : i32 to vector<16xi32>
    %lt3A_250 = arith.cmpi slt, %xor3A_237, %lt3A_249 : vector<16xi32>
    %add3A_251 = arith.constant 16 : i32
    %add3A_252 = vector.broadcast %add3A_251 : i32 to vector<16xi32>
    %add3A_253 = arith.addi %xor3A_237, %add3A_252 : vector<16xi32>
    %select_n3A_254 = arith.select %lt3A_250, %add3A_253, %xor3A_237 : vector<16xi1>, vector<16xi32>
    %broadcast_in_dim3A_255 = vector.shape_cast %select_n3A_254 : vector<16xi32> to vector<16x1xi32>
    %gather3A_256 = vector.shape_cast %broadcast_in_dim3A_255 : vector<16x1xi32> to vector<16xi32>
    %gather3A_257 = tpu.dynamic_gather %select_n3A_234[%gather3A_256] in [0] : vector<16xi32>, vector<16xi32> -> vector<16xi32>
    %lt3A_258 = arith.cmpf olt, %gather3A_247, %select_n3A_233 : vector<16xf32>
    %eq3A_259 = arith.cmpf oeq, %gather3A_247, %select_n3A_233 : vector<16xf32>
    %lt3A_260 = arith.cmpi slt, %gather3A_257, %select_n3A_234 : vector<16xi32>
    %and3A_261 = arith.andi %eq3A_259, %lt3A_260 : vector<16xi1>
    %or3A_262 = arith.ori %lt3A_258, %and3A_261 : vector<16xi1>
    %select_n3A_263 = arith.select %or3A_262, %gather3A_247, %select_n3A_233 : vector<16xi1>, vector<16xf32>
    %select_n3A_264 = arith.select %or3A_262, %gather3A_257, %select_n3A_234 : vector<16xi1>, vector<16xi32>
    %swap3A = arith.constant 0 : index
    %swap3A_265 = tpu.vector_load %arg5[%swap3A] {strides = array<i32>} : memref<16xi32, #tpu.memory_space<vmem>>, vector<16xi32>,
    %swap3A_266 = vector.shape_cast %swap3A_265 : vector<16xi32> to vector<16xi32>
    %swap3A_267 = vector.shape_cast %select_n3A_264 : vector<16xi32> to vector<16xi32>
    tpu.vector_store %arg5[%swap3A], %swap3A_267 {strides = array<i32>} : memref<16xi32, #tpu.memory_space<vmem>>, vector<16xi32>,
    "tpu.region"() ({
      %run_scoped3A = tpu.sem_alloc : memref<!tpu.dma_semaphore, #tpu.memory_space<semaphore_mem>>
      %dma_start3A_268 = arith.constant 0 : i32
      %dma_start3A_269 = tpu.memref_slice %arg3[%add3A, %dma_start3A_268] : memref<32x16xi32, #tpu.memory_space<hbm>> -> memref<1x16xi32, #tpu.memory_space<hbm>>
      %dma_start3A_270 = tpu.memref_squeeze %dma_start3A_269 : memref<1x16xi32, #tpu.memory_space<hbm>> -> memref<16xi32, #tpu.memory_space<hbm>>
      %dma_start3A_271 = arith.constant 0 : i32
      %dma_start3A_272 = tpu.memref_slice %arg3[%add3A, %dma_start3A_271] : memref<32x16xi32, #tpu.memory_space<hbm>> -> memref<1x16xi32, #tpu.memory_space<hbm>>
      %dma_start3A_273 = tpu.memref_squeeze %dma_start3A_272 : memref<1x16xi32, #tpu.memory_space<hbm>> -> memref<16xi32, #tpu.memory_space<hbm>>
      tpu.enqueue_dma source(%arg5 : memref<16xi32, #tpu.memory_space<vmem>>) target(%dma_start3A_273 : memref<16xi32, #tpu.memory_space<hbm>>) target_semaphore(%run_scoped3A : memref<!tpu.dma_semaphore, #tpu.memory_space<semaphore_mem>>)
      %dma_wait3A_274 = arith.constant 0 : i32
      %dma_wait3A_275 = tpu.memref_slice %arg3[%add3A, %dma_wait3A_274] : memref<32x16xi32, #tpu.memory_space<hbm>> -> memref<1x16xi32, #tpu.memory_space<hbm>>
      %dma_wait3A_276 = tpu.memref_squeeze %dma_wait3A_275 : memref<1x16xi32, #tpu.memory_space<hbm>> -> memref<16xi32, #tpu.memory_space<hbm>>
      %dma_wait3A_277 = arith.constant 0 : i32
      %dma_wait3A_278 = tpu.memref_slice %arg3[%add3A, %dma_wait3A_277] : memref<32x16xi32, #tpu.memory_space<hbm>> -> memref<1x16xi32, #tpu.memory_space<hbm>>
      %dma_wait3A_279 = tpu.memref_squeeze %dma_wait3A_278 : memref<1x16xi32, #tpu.memory_space<hbm>> -> memref<16xi32, #tpu.memory_space<hbm>>
      tpu.wait_dma2 semaphore(%run_scoped3A : memref<!tpu.dma_semaphore, #tpu.memory_space<semaphore_mem>>) src(%arg5 : memref<16xi32, #tpu.memory_space<vmem>>) dst(%dma_wait3A_279 : memref<16xi32, #tpu.memory_space<hbm>>)
      tpu.yield
    }) : () -> ()
    return
  }
}

module attributes {stable_mosaic.version = 14 : i64} {
  func.func @_argmin_tc_body(%arg0: i32, %arg1: memref<32x4096xf32, #tpu.memory_space<vmem>>, %arg2: memref<32x1xi32, #tpu.memory_space<vmem>>, %arg3: memref<32x128xf32, #tpu.memory_space<vmem>>, %arg4: memref<32x128xi32, #tpu.memory_space<vmem>>) attributes {dimension_semantics = [#tpu.dimension_semantics<arbitrary>], iteration_bounds = array<i64: 8>, scalar_prefetch = 0 : i64, scratch_operands = 2 : i64, tpu.core_type = #tpu.core_type<tc>, window_params = [{transform_indices = @transform_0, window_bounds = array<i64: 32, 4096>}, {pipeline_mode = #tpu.pipeline_mode<synchronous>, transform_indices = @transform_1, window_bounds = array<i64: 32, 1>}]} {
    %get3A = arith.constant 0 : index
    %get3A_0 = arith.constant 0 : index
    %get3A_1 = vector.load %arg1[%get3A, %get3A_0] : memref<32x4096xf32, #tpu.memory_space<vmem>>, vector<32x128xf32>
    %mul3A = arith.constant 32 : i32
    %mul3A_2 = arith.muli %arg0, %mul3A : i32
    %broadcast_in_dim3A = vector.broadcast %mul3A_2 : i32 to vector<32x128xi32>
    %get3A_3 = arith.constant 0 : index
    %get3A_4 = arith.constant 128 : index
    %get3A_5 = vector.load %arg1[%get3A_3, %get3A_4] : memref<32x4096xf32, #tpu.memory_space<vmem>>, vector<32x128xf32>
    %lt3A = arith.cmpf olt, %get3A_5, %get3A_1 : vector<32x128xf32>
    %select_n3A = arith.select %lt3A, %get3A_5, %get3A_1 : vector<32x128xi1>, vector<32x128xf32>
    %mul3A_6 = arith.constant 32 : i32
    %mul3A_7 = arith.muli %arg0, %mul3A_6 : i32
    %add3A = arith.constant 1 : i32
    %add3A_8 = arith.addi %mul3A_7, %add3A : i32
    %broadcast_in_dim3A_9 = vector.broadcast %add3A_8 : i32 to vector<32x128xi32>
    %select_n3A_10 = arith.select %lt3A, %broadcast_in_dim3A_9, %broadcast_in_dim3A : vector<32x128xi1>, vector<32x128xi32>
    %get3A_11 = arith.constant 0 : index
    %get3A_12 = arith.constant 256 : index
    %get3A_13 = vector.load %arg1[%get3A_11, %get3A_12] : memref<32x4096xf32, #tpu.memory_space<vmem>>, vector<32x128xf32>
    %lt3A_14 = arith.cmpf olt, %get3A_13, %select_n3A : vector<32x128xf32>
    %select_n3A_15 = arith.select %lt3A_14, %get3A_13, %select_n3A : vector<32x128xi1>, vector<32x128xf32>
    %mul3A_16 = arith.constant 32 : i32
    %mul3A_17 = arith.muli %arg0, %mul3A_16 : i32
    %add3A_18 = arith.constant 2 : i32
    %add3A_19 = arith.addi %mul3A_17, %add3A_18 : i32
    %broadcast_in_dim3A_20 = vector.broadcast %add3A_19 : i32 to vector<32x128xi32>
    %select_n3A_21 = arith.select %lt3A_14, %broadcast_in_dim3A_20, %select_n3A_10 : vector<32x128xi1>, vector<32x128xi32>
    %get3A_22 = arith.constant 0 : index
    %get3A_23 = arith.constant 384 : index
    %get3A_24 = vector.load %arg1[%get3A_22, %get3A_23] : memref<32x4096xf32, #tpu.memory_space<vmem>>, vector<32x128xf32>
    %lt3A_25 = arith.cmpf olt, %get3A_24, %select_n3A_15 : vector<32x128xf32>
    %select_n3A_26 = arith.select %lt3A_25, %get3A_24, %select_n3A_15 : vector<32x128xi1>, vector<32x128xf32>
    %mul3A_27 = arith.constant 32 : i32
    %mul3A_28 = arith.muli %arg0, %mul3A_27 : i32
    %add3A_29 = arith.constant 3 : i32
    %add3A_30 = arith.addi %mul3A_28, %add3A_29 : i32
    %broadcast_in_dim3A_31 = vector.broadcast %add3A_30 : i32 to vector<32x128xi32>
    %select_n3A_32 = arith.select %lt3A_25, %broadcast_in_dim3A_31, %select_n3A_21 : vector<32x128xi1>, vector<32x128xi32>
    %get3A_33 = arith.constant 0 : index
    %get3A_34 = arith.constant 512 : index
    %get3A_35 = vector.load %arg1[%get3A_33, %get3A_34] : memref<32x4096xf32, #tpu.memory_space<vmem>>, vector<32x128xf32>
    %lt3A_36 = arith.cmpf olt, %get3A_35, %select_n3A_26 : vector<32x128xf32>
    %select_n3A_37 = arith.select %lt3A_36, %get3A_35, %select_n3A_26 : vector<32x128xi1>, vector<32x128xf32>
    %mul3A_38 = arith.constant 32 : i32
    %mul3A_39 = arith.muli %arg0, %mul3A_38 : i32
    %add3A_40 = arith.constant 4 : i32
    %add3A_41 = arith.addi %mul3A_39, %add3A_40 : i32
    %broadcast_in_dim3A_42 = vector.broadcast %add3A_41 : i32 to vector<32x128xi32>
    %select_n3A_43 = arith.select %lt3A_36, %broadcast_in_dim3A_42, %select_n3A_32 : vector<32x128xi1>, vector<32x128xi32>
    %get3A_44 = arith.constant 0 : index
    %get3A_45 = arith.constant 640 : index
    %get3A_46 = vector.load %arg1[%get3A_44, %get3A_45] : memref<32x4096xf32, #tpu.memory_space<vmem>>, vector<32x128xf32>
    %lt3A_47 = arith.cmpf olt, %get3A_46, %select_n3A_37 : vector<32x128xf32>
    %select_n3A_48 = arith.select %lt3A_47, %get3A_46, %select_n3A_37 : vector<32x128xi1>, vector<32x128xf32>
    %mul3A_49 = arith.constant 32 : i32
    %mul3A_50 = arith.muli %arg0, %mul3A_49 : i32
    %add3A_51 = arith.constant 5 : i32
    %add3A_52 = arith.addi %mul3A_50, %add3A_51 : i32
    %broadcast_in_dim3A_53 = vector.broadcast %add3A_52 : i32 to vector<32x128xi32>
    %select_n3A_54 = arith.select %lt3A_47, %broadcast_in_dim3A_53, %select_n3A_43 : vector<32x128xi1>, vector<32x128xi32>
    %get3A_55 = arith.constant 0 : index
    %get3A_56 = arith.constant 768 : index
    %get3A_57 = vector.load %arg1[%get3A_55, %get3A_56] : memref<32x4096xf32, #tpu.memory_space<vmem>>, vector<32x128xf32>
    %lt3A_58 = arith.cmpf olt, %get3A_57, %select_n3A_48 : vector<32x128xf32>
    %select_n3A_59 = arith.select %lt3A_58, %get3A_57, %select_n3A_48 : vector<32x128xi1>, vector<32x128xf32>
    %mul3A_60 = arith.constant 32 : i32
    %mul3A_61 = arith.muli %arg0, %mul3A_60 : i32
    %add3A_62 = arith.constant 6 : i32
    %add3A_63 = arith.addi %mul3A_61, %add3A_62 : i32
    %broadcast_in_dim3A_64 = vector.broadcast %add3A_63 : i32 to vector<32x128xi32>
    %select_n3A_65 = arith.select %lt3A_58, %broadcast_in_dim3A_64, %select_n3A_54 : vector<32x128xi1>, vector<32x128xi32>
    %get3A_66 = arith.constant 0 : index
    %get3A_67 = arith.constant 896 : index
    %get3A_68 = vector.load %arg1[%get3A_66, %get3A_67] : memref<32x4096xf32, #tpu.memory_space<vmem>>, vector<32x128xf32>
    %lt3A_69 = arith.cmpf olt, %get3A_68, %select_n3A_59 : vector<32x128xf32>
    %select_n3A_70 = arith.select %lt3A_69, %get3A_68, %select_n3A_59 : vector<32x128xi1>, vector<32x128xf32>
    %mul3A_71 = arith.constant 32 : i32
    %mul3A_72 = arith.muli %arg0, %mul3A_71 : i32
    %add3A_73 = arith.constant 7 : i32
    %add3A_74 = arith.addi %mul3A_72, %add3A_73 : i32
    %broadcast_in_dim3A_75 = vector.broadcast %add3A_74 : i32 to vector<32x128xi32>
    %select_n3A_76 = arith.select %lt3A_69, %broadcast_in_dim3A_75, %select_n3A_65 : vector<32x128xi1>, vector<32x128xi32>
    %get3A_77 = arith.constant 0 : index
    %get3A_78 = arith.constant 1024 : index
    %get3A_79 = vector.load %arg1[%get3A_77, %get3A_78] : memref<32x4096xf32, #tpu.memory_space<vmem>>, vector<32x128xf32>
    %lt3A_80 = arith.cmpf olt, %get3A_79, %select_n3A_70 : vector<32x128xf32>
    %select_n3A_81 = arith.select %lt3A_80, %get3A_79, %select_n3A_70 : vector<32x128xi1>, vector<32x128xf32>
    %mul3A_82 = arith.constant 32 : i32
    %mul3A_83 = arith.muli %arg0, %mul3A_82 : i32
    %add3A_84 = arith.constant 8 : i32
    %add3A_85 = arith.addi %mul3A_83, %add3A_84 : i32
    %broadcast_in_dim3A_86 = vector.broadcast %add3A_85 : i32 to vector<32x128xi32>
    %select_n3A_87 = arith.select %lt3A_80, %broadcast_in_dim3A_86, %select_n3A_76 : vector<32x128xi1>, vector<32x128xi32>
    %get3A_88 = arith.constant 0 : index
    %get3A_89 = arith.constant 1152 : index
    %get3A_90 = vector.load %arg1[%get3A_88, %get3A_89] : memref<32x4096xf32, #tpu.memory_space<vmem>>, vector<32x128xf32>
    %lt3A_91 = arith.cmpf olt, %get3A_90, %select_n3A_81 : vector<32x128xf32>
    %select_n3A_92 = arith.select %lt3A_91, %get3A_90, %select_n3A_81 : vector<32x128xi1>, vector<32x128xf32>
    %mul3A_93 = arith.constant 32 : i32
    %mul3A_94 = arith.muli %arg0, %mul3A_93 : i32
    %add3A_95 = arith.constant 9 : i32
    %add3A_96 = arith.addi %mul3A_94, %add3A_95 : i32
    %broadcast_in_dim3A_97 = vector.broadcast %add3A_96 : i32 to vector<32x128xi32>
    %select_n3A_98 = arith.select %lt3A_91, %broadcast_in_dim3A_97, %select_n3A_87 : vector<32x128xi1>, vector<32x128xi32>
    %get3A_99 = arith.constant 0 : index
    %get3A_100 = arith.constant 1280 : index
    %get3A_101 = vector.load %arg1[%get3A_99, %get3A_100] : memref<32x4096xf32, #tpu.memory_space<vmem>>, vector<32x128xf32>
    %lt3A_102 = arith.cmpf olt, %get3A_101, %select_n3A_92 : vector<32x128xf32>
    %select_n3A_103 = arith.select %lt3A_102, %get3A_101, %select_n3A_92 : vector<32x128xi1>, vector<32x128xf32>
    %mul3A_104 = arith.constant 32 : i32
    %mul3A_105 = arith.muli %arg0, %mul3A_104 : i32
    %add3A_106 = arith.constant 10 : i32
    %add3A_107 = arith.addi %mul3A_105, %add3A_106 : i32
    %broadcast_in_dim3A_108 = vector.broadcast %add3A_107 : i32 to vector<32x128xi32>
    %select_n3A_109 = arith.select %lt3A_102, %broadcast_in_dim3A_108, %select_n3A_98 : vector<32x128xi1>, vector<32x128xi32>
    %get3A_110 = arith.constant 0 : index
    %get3A_111 = arith.constant 1408 : index
    %get3A_112 = vector.load %arg1[%get3A_110, %get3A_111] : memref<32x4096xf32, #tpu.memory_space<vmem>>, vector<32x128xf32>
    %lt3A_113 = arith.cmpf olt, %get3A_112, %select_n3A_103 : vector<32x128xf32>
    %select_n3A_114 = arith.select %lt3A_113, %get3A_112, %select_n3A_103 : vector<32x128xi1>, vector<32x128xf32>
    %mul3A_115 = arith.constant 32 : i32
    %mul3A_116 = arith.muli %arg0, %mul3A_115 : i32
    %add3A_117 = arith.constant 11 : i32
    %add3A_118 = arith.addi %mul3A_116, %add3A_117 : i32
    %broadcast_in_dim3A_119 = vector.broadcast %add3A_118 : i32 to vector<32x128xi32>
    %select_n3A_120 = arith.select %lt3A_113, %broadcast_in_dim3A_119, %select_n3A_109 : vector<32x128xi1>, vector<32x128xi32>
    %get3A_121 = arith.constant 0 : index
    %get3A_122 = arith.constant 1536 : index
    %get3A_123 = vector.load %arg1[%get3A_121, %get3A_122] : memref<32x4096xf32, #tpu.memory_space<vmem>>, vector<32x128xf32>
    %lt3A_124 = arith.cmpf olt, %get3A_123, %select_n3A_114 : vector<32x128xf32>
    %select_n3A_125 = arith.select %lt3A_124, %get3A_123, %select_n3A_114 : vector<32x128xi1>, vector<32x128xf32>
    %mul3A_126 = arith.constant 32 : i32
    %mul3A_127 = arith.muli %arg0, %mul3A_126 : i32
    %add3A_128 = arith.constant 12 : i32
    %add3A_129 = arith.addi %mul3A_127, %add3A_128 : i32
    %broadcast_in_dim3A_130 = vector.broadcast %add3A_129 : i32 to vector<32x128xi32>
    %select_n3A_131 = arith.select %lt3A_124, %broadcast_in_dim3A_130, %select_n3A_120 : vector<32x128xi1>, vector<32x128xi32>
    %get3A_132 = arith.constant 0 : index
    %get3A_133 = arith.constant 1664 : index
    %get3A_134 = vector.load %arg1[%get3A_132, %get3A_133] : memref<32x4096xf32, #tpu.memory_space<vmem>>, vector<32x128xf32>
    %lt3A_135 = arith.cmpf olt, %get3A_134, %select_n3A_125 : vector<32x128xf32>
    %select_n3A_136 = arith.select %lt3A_135, %get3A_134, %select_n3A_125 : vector<32x128xi1>, vector<32x128xf32>
    %mul3A_137 = arith.constant 32 : i32
    %mul3A_138 = arith.muli %arg0, %mul3A_137 : i32
    %add3A_139 = arith.constant 13 : i32
    %add3A_140 = arith.addi %mul3A_138, %add3A_139 : i32
    %broadcast_in_dim3A_141 = vector.broadcast %add3A_140 : i32 to vector<32x128xi32>
    %select_n3A_142 = arith.select %lt3A_135, %broadcast_in_dim3A_141, %select_n3A_131 : vector<32x128xi1>, vector<32x128xi32>
    %get3A_143 = arith.constant 0 : index
    %get3A_144 = arith.constant 1792 : index
    %get3A_145 = vector.load %arg1[%get3A_143, %get3A_144] : memref<32x4096xf32, #tpu.memory_space<vmem>>, vector<32x128xf32>
    %lt3A_146 = arith.cmpf olt, %get3A_145, %select_n3A_136 : vector<32x128xf32>
    %select_n3A_147 = arith.select %lt3A_146, %get3A_145, %select_n3A_136 : vector<32x128xi1>, vector<32x128xf32>
    %mul3A_148 = arith.constant 32 : i32
    %mul3A_149 = arith.muli %arg0, %mul3A_148 : i32
    %add3A_150 = arith.constant 14 : i32
    %add3A_151 = arith.addi %mul3A_149, %add3A_150 : i32
    %broadcast_in_dim3A_152 = vector.broadcast %add3A_151 : i32 to vector<32x128xi32>
    %select_n3A_153 = arith.select %lt3A_146, %broadcast_in_dim3A_152, %select_n3A_142 : vector<32x128xi1>, vector<32x128xi32>
    %get3A_154 = arith.constant 0 : index
    %get3A_155 = arith.constant 1920 : index
    %get3A_156 = vector.load %arg1[%get3A_154, %get3A_155] : memref<32x4096xf32, #tpu.memory_space<vmem>>, vector<32x128xf32>
    %lt3A_157 = arith.cmpf olt, %get3A_156, %select_n3A_147 : vector<32x128xf32>
    %select_n3A_158 = arith.select %lt3A_157, %get3A_156, %select_n3A_147 : vector<32x128xi1>, vector<32x128xf32>
    %mul3A_159 = arith.constant 32 : i32
    %mul3A_160 = arith.muli %arg0, %mul3A_159 : i32
    %add3A_161 = arith.constant 15 : i32
    %add3A_162 = arith.addi %mul3A_160, %add3A_161 : i32
    %broadcast_in_dim3A_163 = vector.broadcast %add3A_162 : i32 to vector<32x128xi32>
    %select_n3A_164 = arith.select %lt3A_157, %broadcast_in_dim3A_163, %select_n3A_153 : vector<32x128xi1>, vector<32x128xi32>
    %get3A_165 = arith.constant 0 : index
    %get3A_166 = arith.constant 2048 : index
    %get3A_167 = vector.load %arg1[%get3A_165, %get3A_166] : memref<32x4096xf32, #tpu.memory_space<vmem>>, vector<32x128xf32>
    %lt3A_168 = arith.cmpf olt, %get3A_167, %select_n3A_158 : vector<32x128xf32>
    %select_n3A_169 = arith.select %lt3A_168, %get3A_167, %select_n3A_158 : vector<32x128xi1>, vector<32x128xf32>
    %mul3A_170 = arith.constant 32 : i32
    %mul3A_171 = arith.muli %arg0, %mul3A_170 : i32
    %add3A_172 = arith.constant 16 : i32
    %add3A_173 = arith.addi %mul3A_171, %add3A_172 : i32
    %broadcast_in_dim3A_174 = vector.broadcast %add3A_173 : i32 to vector<32x128xi32>
    %select_n3A_175 = arith.select %lt3A_168, %broadcast_in_dim3A_174, %select_n3A_164 : vector<32x128xi1>, vector<32x128xi32>
    %get3A_176 = arith.constant 0 : index
    %get3A_177 = arith.constant 2176 : index
    %get3A_178 = vector.load %arg1[%get3A_176, %get3A_177] : memref<32x4096xf32, #tpu.memory_space<vmem>>, vector<32x128xf32>
    %lt3A_179 = arith.cmpf olt, %get3A_178, %select_n3A_169 : vector<32x128xf32>
    %select_n3A_180 = arith.select %lt3A_179, %get3A_178, %select_n3A_169 : vector<32x128xi1>, vector<32x128xf32>
    %mul3A_181 = arith.constant 32 : i32
    %mul3A_182 = arith.muli %arg0, %mul3A_181 : i32
    %add3A_183 = arith.constant 17 : i32
    %add3A_184 = arith.addi %mul3A_182, %add3A_183 : i32
    %broadcast_in_dim3A_185 = vector.broadcast %add3A_184 : i32 to vector<32x128xi32>
    %select_n3A_186 = arith.select %lt3A_179, %broadcast_in_dim3A_185, %select_n3A_175 : vector<32x128xi1>, vector<32x128xi32>
    %get3A_187 = arith.constant 0 : index
    %get3A_188 = arith.constant 2304 : index
    %get3A_189 = vector.load %arg1[%get3A_187, %get3A_188] : memref<32x4096xf32, #tpu.memory_space<vmem>>, vector<32x128xf32>
    %lt3A_190 = arith.cmpf olt, %get3A_189, %select_n3A_180 : vector<32x128xf32>
    %select_n3A_191 = arith.select %lt3A_190, %get3A_189, %select_n3A_180 : vector<32x128xi1>, vector<32x128xf32>
    %mul3A_192 = arith.constant 32 : i32
    %mul3A_193 = arith.muli %arg0, %mul3A_192 : i32
    %add3A_194 = arith.constant 18 : i32
    %add3A_195 = arith.addi %mul3A_193, %add3A_194 : i32
    %broadcast_in_dim3A_196 = vector.broadcast %add3A_195 : i32 to vector<32x128xi32>
    %select_n3A_197 = arith.select %lt3A_190, %broadcast_in_dim3A_196, %select_n3A_186 : vector<32x128xi1>, vector<32x128xi32>
    %get3A_198 = arith.constant 0 : index
    %get3A_199 = arith.constant 2432 : index
    %get3A_200 = vector.load %arg1[%get3A_198, %get3A_199] : memref<32x4096xf32, #tpu.memory_space<vmem>>, vector<32x128xf32>
    %lt3A_201 = arith.cmpf olt, %get3A_200, %select_n3A_191 : vector<32x128xf32>
    %select_n3A_202 = arith.select %lt3A_201, %get3A_200, %select_n3A_191 : vector<32x128xi1>, vector<32x128xf32>
    %mul3A_203 = arith.constant 32 : i32
    %mul3A_204 = arith.muli %arg0, %mul3A_203 : i32
    %add3A_205 = arith.constant 19 : i32
    %add3A_206 = arith.addi %mul3A_204, %add3A_205 : i32
    %broadcast_in_dim3A_207 = vector.broadcast %add3A_206 : i32 to vector<32x128xi32>
    %select_n3A_208 = arith.select %lt3A_201, %broadcast_in_dim3A_207, %select_n3A_197 : vector<32x128xi1>, vector<32x128xi32>
    %get3A_209 = arith.constant 0 : index
    %get3A_210 = arith.constant 2560 : index
    %get3A_211 = vector.load %arg1[%get3A_209, %get3A_210] : memref<32x4096xf32, #tpu.memory_space<vmem>>, vector<32x128xf32>
    %lt3A_212 = arith.cmpf olt, %get3A_211, %select_n3A_202 : vector<32x128xf32>
    %select_n3A_213 = arith.select %lt3A_212, %get3A_211, %select_n3A_202 : vector<32x128xi1>, vector<32x128xf32>
    %mul3A_214 = arith.constant 32 : i32
    %mul3A_215 = arith.muli %arg0, %mul3A_214 : i32
    %add3A_216 = arith.constant 20 : i32
    %add3A_217 = arith.addi %mul3A_215, %add3A_216 : i32
    %broadcast_in_dim3A_218 = vector.broadcast %add3A_217 : i32 to vector<32x128xi32>
    %select_n3A_219 = arith.select %lt3A_212, %broadcast_in_dim3A_218, %select_n3A_208 : vector<32x128xi1>, vector<32x128xi32>
    %get3A_220 = arith.constant 0 : index
    %get3A_221 = arith.constant 2688 : index
    %get3A_222 = vector.load %arg1[%get3A_220, %get3A_221] : memref<32x4096xf32, #tpu.memory_space<vmem>>, vector<32x128xf32>
    %lt3A_223 = arith.cmpf olt, %get3A_222, %select_n3A_213 : vector<32x128xf32>
    %select_n3A_224 = arith.select %lt3A_223, %get3A_222, %select_n3A_213 : vector<32x128xi1>, vector<32x128xf32>
    %mul3A_225 = arith.constant 32 : i32
    %mul3A_226 = arith.muli %arg0, %mul3A_225 : i32
    %add3A_227 = arith.constant 21 : i32
    %add3A_228 = arith.addi %mul3A_226, %add3A_227 : i32
    %broadcast_in_dim3A_229 = vector.broadcast %add3A_228 : i32 to vector<32x128xi32>
    %select_n3A_230 = arith.select %lt3A_223, %broadcast_in_dim3A_229, %select_n3A_219 : vector<32x128xi1>, vector<32x128xi32>
    %get3A_231 = arith.constant 0 : index
    %get3A_232 = arith.constant 2816 : index
    %get3A_233 = vector.load %arg1[%get3A_231, %get3A_232] : memref<32x4096xf32, #tpu.memory_space<vmem>>, vector<32x128xf32>
    %lt3A_234 = arith.cmpf olt, %get3A_233, %select_n3A_224 : vector<32x128xf32>
    %select_n3A_235 = arith.select %lt3A_234, %get3A_233, %select_n3A_224 : vector<32x128xi1>, vector<32x128xf32>
    %mul3A_236 = arith.constant 32 : i32
    %mul3A_237 = arith.muli %arg0, %mul3A_236 : i32
    %add3A_238 = arith.constant 22 : i32
    %add3A_239 = arith.addi %mul3A_237, %add3A_238 : i32
    %broadcast_in_dim3A_240 = vector.broadcast %add3A_239 : i32 to vector<32x128xi32>
    %select_n3A_241 = arith.select %lt3A_234, %broadcast_in_dim3A_240, %select_n3A_230 : vector<32x128xi1>, vector<32x128xi32>
    %get3A_242 = arith.constant 0 : index
    %get3A_243 = arith.constant 2944 : index
    %get3A_244 = vector.load %arg1[%get3A_242, %get3A_243] : memref<32x4096xf32, #tpu.memory_space<vmem>>, vector<32x128xf32>
    %lt3A_245 = arith.cmpf olt, %get3A_244, %select_n3A_235 : vector<32x128xf32>
    %select_n3A_246 = arith.select %lt3A_245, %get3A_244, %select_n3A_235 : vector<32x128xi1>, vector<32x128xf32>
    %mul3A_247 = arith.constant 32 : i32
    %mul3A_248 = arith.muli %arg0, %mul3A_247 : i32
    %add3A_249 = arith.constant 23 : i32
    %add3A_250 = arith.addi %mul3A_248, %add3A_249 : i32
    %broadcast_in_dim3A_251 = vector.broadcast %add3A_250 : i32 to vector<32x128xi32>
    %select_n3A_252 = arith.select %lt3A_245, %broadcast_in_dim3A_251, %select_n3A_241 : vector<32x128xi1>, vector<32x128xi32>
    %get3A_253 = arith.constant 0 : index
    %get3A_254 = arith.constant 3072 : index
    %get3A_255 = vector.load %arg1[%get3A_253, %get3A_254] : memref<32x4096xf32, #tpu.memory_space<vmem>>, vector<32x128xf32>
    %lt3A_256 = arith.cmpf olt, %get3A_255, %select_n3A_246 : vector<32x128xf32>
    %select_n3A_257 = arith.select %lt3A_256, %get3A_255, %select_n3A_246 : vector<32x128xi1>, vector<32x128xf32>
    %mul3A_258 = arith.constant 32 : i32
    %mul3A_259 = arith.muli %arg0, %mul3A_258 : i32
    %add3A_260 = arith.constant 24 : i32
    %add3A_261 = arith.addi %mul3A_259, %add3A_260 : i32
    %broadcast_in_dim3A_262 = vector.broadcast %add3A_261 : i32 to vector<32x128xi32>
    %select_n3A_263 = arith.select %lt3A_256, %broadcast_in_dim3A_262, %select_n3A_252 : vector<32x128xi1>, vector<32x128xi32>
    %get3A_264 = arith.constant 0 : index
    %get3A_265 = arith.constant 3200 : index
    %get3A_266 = vector.load %arg1[%get3A_264, %get3A_265] : memref<32x4096xf32, #tpu.memory_space<vmem>>, vector<32x128xf32>
    %lt3A_267 = arith.cmpf olt, %get3A_266, %select_n3A_257 : vector<32x128xf32>
    %select_n3A_268 = arith.select %lt3A_267, %get3A_266, %select_n3A_257 : vector<32x128xi1>, vector<32x128xf32>
    %mul3A_269 = arith.constant 32 : i32
    %mul3A_270 = arith.muli %arg0, %mul3A_269 : i32
    %add3A_271 = arith.constant 25 : i32
    %add3A_272 = arith.addi %mul3A_270, %add3A_271 : i32
    %broadcast_in_dim3A_273 = vector.broadcast %add3A_272 : i32 to vector<32x128xi32>
    %select_n3A_274 = arith.select %lt3A_267, %broadcast_in_dim3A_273, %select_n3A_263 : vector<32x128xi1>, vector<32x128xi32>
    %get3A_275 = arith.constant 0 : index
    %get3A_276 = arith.constant 3328 : index
    %get3A_277 = vector.load %arg1[%get3A_275, %get3A_276] : memref<32x4096xf32, #tpu.memory_space<vmem>>, vector<32x128xf32>
    %lt3A_278 = arith.cmpf olt, %get3A_277, %select_n3A_268 : vector<32x128xf32>
    %select_n3A_279 = arith.select %lt3A_278, %get3A_277, %select_n3A_268 : vector<32x128xi1>, vector<32x128xf32>
    %mul3A_280 = arith.constant 32 : i32
    %mul3A_281 = arith.muli %arg0, %mul3A_280 : i32
    %add3A_282 = arith.constant 26 : i32
    %add3A_283 = arith.addi %mul3A_281, %add3A_282 : i32
    %broadcast_in_dim3A_284 = vector.broadcast %add3A_283 : i32 to vector<32x128xi32>
    %select_n3A_285 = arith.select %lt3A_278, %broadcast_in_dim3A_284, %select_n3A_274 : vector<32x128xi1>, vector<32x128xi32>
    %get3A_286 = arith.constant 0 : index
    %get3A_287 = arith.constant 3456 : index
    %get3A_288 = vector.load %arg1[%get3A_286, %get3A_287] : memref<32x4096xf32, #tpu.memory_space<vmem>>, vector<32x128xf32>
    %lt3A_289 = arith.cmpf olt, %get3A_288, %select_n3A_279 : vector<32x128xf32>
    %select_n3A_290 = arith.select %lt3A_289, %get3A_288, %select_n3A_279 : vector<32x128xi1>, vector<32x128xf32>
    %mul3A_291 = arith.constant 32 : i32
    %mul3A_292 = arith.muli %arg0, %mul3A_291 : i32
    %add3A_293 = arith.constant 27 : i32
    %add3A_294 = arith.addi %mul3A_292, %add3A_293 : i32
    %broadcast_in_dim3A_295 = vector.broadcast %add3A_294 : i32 to vector<32x128xi32>
    %select_n3A_296 = arith.select %lt3A_289, %broadcast_in_dim3A_295, %select_n3A_285 : vector<32x128xi1>, vector<32x128xi32>
    %get3A_297 = arith.constant 0 : index
    %get3A_298 = arith.constant 3584 : index
    %get3A_299 = vector.load %arg1[%get3A_297, %get3A_298] : memref<32x4096xf32, #tpu.memory_space<vmem>>, vector<32x128xf32>
    %lt3A_300 = arith.cmpf olt, %get3A_299, %select_n3A_290 : vector<32x128xf32>
    %select_n3A_301 = arith.select %lt3A_300, %get3A_299, %select_n3A_290 : vector<32x128xi1>, vector<32x128xf32>
    %mul3A_302 = arith.constant 32 : i32
    %mul3A_303 = arith.muli %arg0, %mul3A_302 : i32
    %add3A_304 = arith.constant 28 : i32
    %add3A_305 = arith.addi %mul3A_303, %add3A_304 : i32
    %broadcast_in_dim3A_306 = vector.broadcast %add3A_305 : i32 to vector<32x128xi32>
    %select_n3A_307 = arith.select %lt3A_300, %broadcast_in_dim3A_306, %select_n3A_296 : vector<32x128xi1>, vector<32x128xi32>
    %get3A_308 = arith.constant 0 : index
    %get3A_309 = arith.constant 3712 : index
    %get3A_310 = vector.load %arg1[%get3A_308, %get3A_309] : memref<32x4096xf32, #tpu.memory_space<vmem>>, vector<32x128xf32>
    %lt3A_311 = arith.cmpf olt, %get3A_310, %select_n3A_301 : vector<32x128xf32>
    %select_n3A_312 = arith.select %lt3A_311, %get3A_310, %select_n3A_301 : vector<32x128xi1>, vector<32x128xf32>
    %mul3A_313 = arith.constant 32 : i32
    %mul3A_314 = arith.muli %arg0, %mul3A_313 : i32
    %add3A_315 = arith.constant 29 : i32
    %add3A_316 = arith.addi %mul3A_314, %add3A_315 : i32
    %broadcast_in_dim3A_317 = vector.broadcast %add3A_316 : i32 to vector<32x128xi32>
    %select_n3A_318 = arith.select %lt3A_311, %broadcast_in_dim3A_317, %select_n3A_307 : vector<32x128xi1>, vector<32x128xi32>
    %get3A_319 = arith.constant 0 : index
    %get3A_320 = arith.constant 3840 : index
    %get3A_321 = vector.load %arg1[%get3A_319, %get3A_320] : memref<32x4096xf32, #tpu.memory_space<vmem>>, vector<32x128xf32>
    %lt3A_322 = arith.cmpf olt, %get3A_321, %select_n3A_312 : vector<32x128xf32>
    %select_n3A_323 = arith.select %lt3A_322, %get3A_321, %select_n3A_312 : vector<32x128xi1>, vector<32x128xf32>
    %mul3A_324 = arith.constant 32 : i32
    %mul3A_325 = arith.muli %arg0, %mul3A_324 : i32
    %add3A_326 = arith.constant 30 : i32
    %add3A_327 = arith.addi %mul3A_325, %add3A_326 : i32
    %broadcast_in_dim3A_328 = vector.broadcast %add3A_327 : i32 to vector<32x128xi32>
    %select_n3A_329 = arith.select %lt3A_322, %broadcast_in_dim3A_328, %select_n3A_318 : vector<32x128xi1>, vector<32x128xi32>
    %get3A_330 = arith.constant 0 : index
    %get3A_331 = arith.constant 3968 : index
    %get3A_332 = vector.load %arg1[%get3A_330, %get3A_331] : memref<32x4096xf32, #tpu.memory_space<vmem>>, vector<32x128xf32>
    %lt3A_333 = arith.cmpf olt, %get3A_332, %select_n3A_323 : vector<32x128xf32>
    %select_n3A_334 = arith.select %lt3A_333, %get3A_332, %select_n3A_323 : vector<32x128xi1>, vector<32x128xf32>
    %mul3A_335 = arith.constant 32 : i32
    %mul3A_336 = arith.muli %arg0, %mul3A_335 : i32
    %add3A_337 = arith.constant 31 : i32
    %add3A_338 = arith.addi %mul3A_336, %add3A_337 : i32
    %broadcast_in_dim3A_339 = vector.broadcast %add3A_338 : i32 to vector<32x128xi32>
    %select_n3A_340 = arith.select %lt3A_333, %broadcast_in_dim3A_339, %select_n3A_329 : vector<32x128xi1>, vector<32x128xi32>
    %eq3A = arith.constant 0 : i32
    %eq3A_341 = arith.cmpi eq, %arg0, %eq3A : i32
    %convert_element_type3A = arith.extui %eq3A_341 : i1 to i32
    %cond3A = arith.constant 0 : i32
    %cond3A_342 = arith.cmpi ne, %convert_element_type3A, %cond3A : i32
    scf.if %cond3A_342 {
      %swap3A = arith.constant 0 : index
      %swap3A_352 = arith.constant 0 : index
      %swap3A_353 = vector.load %arg3[%swap3A, %swap3A_352] : memref<32x128xf32, #tpu.memory_space<vmem>>, vector<32x128xf32>
      tpu.vector_store %arg3[%swap3A, %swap3A_352], %select_n3A_334 {strides = array<i32>} : memref<32x128xf32, #tpu.memory_space<vmem>>, vector<32x128xf32>,
      %swap3A_354 = arith.constant 0 : index
      %swap3A_355 = arith.constant 0 : index
      %swap3A_356 = vector.load %arg4[%swap3A_354, %swap3A_355] : memref<32x128xi32, #tpu.memory_space<vmem>>, vector<32x128xi32>
      tpu.vector_store %arg4[%swap3A_354, %swap3A_355], %select_n3A_340 {strides = array<i32>} : memref<32x128xi32, #tpu.memory_space<vmem>>, vector<32x128xi32>,
    } else {
    }
    %gt3A = arith.constant 0 : i32
    %gt3A_343 = arith.cmpi sgt, %arg0, %gt3A : i32
    %convert_element_type3A_344 = arith.extui %gt3A_343 : i1 to i32
    %cond3A_345 = arith.constant 0 : i32
    %cond3A_346 = arith.cmpi ne, %convert_element_type3A_344, %cond3A_345 : i32
    scf.if %cond3A_346 {
      %get3A_352 = arith.constant 0 : index
      %get3A_353 = arith.constant 0 : index
      %get3A_354 = vector.load %arg3[%get3A_352, %get3A_353] : memref<32x128xf32, #tpu.memory_space<vmem>>, vector<32x128xf32>
      %get3A_355 = arith.constant 0 : index
      %get3A_356 = arith.constant 0 : index
      %get3A_357 = vector.load %arg4[%get3A_355, %get3A_356] : memref<32x128xi32, #tpu.memory_space<vmem>>, vector<32x128xi32>
      %lt3A_358 = arith.cmpf olt, %select_n3A_334, %get3A_354 : vector<32x128xf32>
      %select_n3A_359 = arith.select %lt3A_358, %select_n3A_334, %get3A_354 : vector<32x128xi1>, vector<32x128xf32>
      %swap3A = arith.constant 0 : index
      %swap3A_360 = arith.constant 0 : index
      %swap3A_361 = vector.load %arg3[%swap3A, %swap3A_360] : memref<32x128xf32, #tpu.memory_space<vmem>>, vector<32x128xf32>
      tpu.vector_store %arg3[%swap3A, %swap3A_360], %select_n3A_359 {strides = array<i32>} : memref<32x128xf32, #tpu.memory_space<vmem>>, vector<32x128xf32>,
      %select_n3A_362 = arith.select %lt3A_358, %select_n3A_340, %get3A_357 : vector<32x128xi1>, vector<32x128xi32>
      %swap3A_363 = arith.constant 0 : index
      %swap3A_364 = arith.constant 0 : index
      %swap3A_365 = vector.load %arg4[%swap3A_363, %swap3A_364] : memref<32x128xi32, #tpu.memory_space<vmem>>, vector<32x128xi32>
      tpu.vector_store %arg4[%swap3A_363, %swap3A_364], %select_n3A_362 {strides = array<i32>} : memref<32x128xi32, #tpu.memory_space<vmem>>, vector<32x128xi32>,
    } else {
    }
    %eq3A_347 = arith.constant 7 : i32
    %eq3A_348 = arith.cmpi eq, %arg0, %eq3A_347 : i32
    %convert_element_type3A_349 = arith.extui %eq3A_348 : i1 to i32
    %cond3A_350 = arith.constant 0 : i32
    %cond3A_351 = arith.cmpi ne, %convert_element_type3A_349, %cond3A_350 : i32
    scf.if %cond3A_351 {
      %get3A_352 = arith.constant 0 : index
      %get3A_353 = arith.constant 0 : index
      %get3A_354 = vector.load %arg3[%get3A_352, %get3A_353] : memref<32x128xf32, #tpu.memory_space<vmem>>, vector<32x128xf32>
      %get3A_355 = arith.constant 0 : index
      %get3A_356 = arith.constant 0 : index
      %get3A_357 = vector.load %arg4[%get3A_355, %get3A_356] : memref<32x128xi32, #tpu.memory_space<vmem>>, vector<32x128xi32>
      %mul3A_358 = arith.constant 128 : i32
      %mul3A_359 = vector.broadcast %mul3A_358 : i32 to vector<32x128xi32>
      %mul3A_360 = arith.muli %get3A_357, %mul3A_359 : vector<32x128xi32>
      %iota3A = tpu.iota {dimensions = array<i32: 1>} : vector<32x128xi32>
      %add3A_361 = arith.addi %mul3A_360, %iota3A : vector<32x128xi32>
      %reduce_min3A = arith.constant dense<0x7F800000> : vector<32xf32>
      %reduce_min3A_362 = vector.multi_reduction <minimumf>, %get3A_354, %reduce_min3A [1] : vector<32x128xf32> to vector<32xf32>
      %broadcast_in_dim3A_363 = vector.shape_cast %reduce_min3A_362 : vector<32xf32> to vector<32x1xf32>
      %eq3A_364 = vector.broadcast %broadcast_in_dim3A_363 : vector<32x1xf32> to vector<32x128xf32>
      %eq3A_365 = arith.cmpf oeq, %get3A_354, %eq3A_364 : vector<32x128xf32>
      %jit3A = arith.constant 1073741824 : i32
      %broadcast_in_dim3A_366 = vector.broadcast %jit3A : i32 to vector<32x128xi32>
      %select_n3A_367 = arith.select %eq3A_365, %add3A_361, %broadcast_in_dim3A_366 : vector<32x128xi1>, vector<32x128xi32>
      %reduce_min3A_368 = arith.constant dense<2147483647> : vector<32xi32>
      %reduce_min3A_369 = vector.multi_reduction <minsi>, %select_n3A_367, %reduce_min3A_368 [1] : vector<32x128xi32> to vector<32xi32>
      %broadcast_in_dim3A_370 = vector.shape_cast %reduce_min3A_369 : vector<32xi32> to vector<32x1xi32>
      %swap3A = arith.constant 0 : index
      %swap3A_371 = arith.constant 0 : index
      %swap3A_372 = vector.load %arg2[%swap3A, %swap3A_371] : memref<32x1xi32, #tpu.memory_space<vmem>>, vector<32x1xi32>
      tpu.vector_store %arg2[%swap3A, %swap3A_371], %broadcast_in_dim3A_370 {strides = array<i32>} : memref<32x1xi32, #tpu.memory_space<vmem>>, vector<32x1xi32>,
    } else {
    }
    return
  }
  func.func @transform_0(%arg0: i32) -> (i32, i32) {
    %c1_i32 = arith.constant 1 : i32
    %c0_i32 = arith.constant 0 : i32
    return %c1_i32, %arg0 : i32, i32
  }
  func.func @transform_1(%arg0: i32) -> (i32, i32) {
    %c0_i32 = arith.constant 0 : i32
    %c0_i32_0 = arith.constant 0 : i32
    %c0_i32_1 = arith.constant 0 : i32
    return %c0_i32, %c0_i32_0 : i32, i32
  }
}

</mosaic_0001>

<sc_bundles>
// kernel: kernel.4.cloned.1.call-start
scs
__scs_entry_jumppad:
0x0: {  	(pc) =	sbr.rel $0x88, $3  }
0x1: {  	(tag) =	ssettag $0x0;
	lr =	simm.s32 $0x1  }
0x2: {  	[smem:$0x3FA0] =	sst lr;
	_ =	strace $0xD0000000  }
0x3: {  	_ = 	snop  }
0x4: {  	_ = 	snop  }
0x5: {  	_ = 	snop  }
0x6: {  	_ = 	snop  }
0x7: {  	_ = 	snop  }
__scs_overlays_trampoline_lowered:
0x8: {  	[smem:$0x3FAF] =	sst s0  }
0x9: {  	[smem:$0x3FB0] =	sst s1  }
0xa: {  	[smem:$0x3FB1] =	sst s2  }
0xb: {  	[smem:$0x3FB2] =	sst s3  }
0xc: {  	[smem:$0x3FB3] =	sst s4  }
0xd: {  	[smem:$0x3FB4] =	sst s5  }
0xe: {  	[smem:$0x3FB5] =	sst s6  }
0xf: {  	[smem:$0x3FB6] =	sst s7  }
0x10: {  	[smem:$0x3FB7] =	sst s8  }
0x11: {  	[smem:$0x3FB8] =	sst s9;
	s0 =	simm.s32 @!p0 $0x0  }
0x12: {  	s1 =	sld [smem:$0x3F9E];
	s0 =	simm.s32 @p0 $0x1  }
0x13: {  	[smem:$0x3FB9] =	sst s0;
	s0 =	simm.s32 @!p1 $0x0  }
0x14: {  	s2 =	sld [smem:$0x3F9D];
	s0 =	simm.s32 @p1 $0x1  }
0x15: {  	[smem:$0x3FBA] =	sst s0;
	s0 =	simm.s32 @!p2 $0x0  }
0x16: {  	s3 =	sld [smem:$0x3FDB];
	s0 =	simm.s32 @p2 $0x1  }
0x17: {  	s4 =	simm.s32 $0x1BF5;
	[smem:$0x3FBC] =	sst s0  }
0x18: {  	s0 =	sld [smem:$0x3F9F];
	_ =	swait.ge [sflag:s4], $0x0  }
0x19: {  	s7 =	sld [smem:$0x3FA0]  }
0x1a: {  	s8 =	sadd.s32 $0xFFFFE003, lr  }
0x1b: {  	s9 =	sadd.s32 $0xFFFFFEF7, lr;
	s5 =	simm.s32 $0xFFFFFFFF;
	p2 =	slt.u32 s8, $0xFFFFF086  }
0x1c: {  	p1 =	slt.u32 s9, $0xF7A;
	s5 =	simm.s32 @!p2 $0x0  }
0x1d: {  	s5 =	simm.s32 @p1 $0x1;
	p0 =	seq.s32 s7, s2  }
0x1e: {  	s7 =	smul.u32 @!p0 $0xF7A, s2;
	p2 =	seq.s32 @!p0 s5, $0x0  }
0x1f: {  	s9 =	smul.u32 $0xF7A, s1;
	s8 =	simm.s32 @!p0 $0x1BF5;
	p2 =	por !p2, p0  }
0x20: {  	[sflag:s8] =	ssyncset.s32 @!p0 $0xFFFFF086;
	s6 =	sadd.s32 @!p0 s3, s7;
	s7 =	simm.s32 @!p0 $0x108  }
0x21: {  	s3 =	sadd.s32 s3, s9;
	s6 =	sadd.s32 @!p0 $0x88, s6;
	s7 =	simm.s32 @p2 $0x1082  }
0x22: {  	[simem:s7], [sflag:s8] =	dma.local @!p0 [hbm:s6], $0xF7A  }
0x23: {  	s9 =	sor.u32 $0xD0000000, s2;
	s6 =	simm.s32 $0x108;
	_ =	swait.ge @!p0 [sflag:s8], $0x0  }
0x24: {  	s3 =	sadd.s32 $0x88, s3;
	s6 =	simm.s32 @!p1 $0x1082;
	[sflag:s4] =	ssyncset.s32 $0xFFFFF086  }
0x25: {  	[simem:s6], [sflag:s4] =	dma.local [hbm:s3], $0xF7A  }
0x26: {  	[smem:$0x3FA0] =	sst s1;
	(tag) =	ssettag s2;
	_ =	strace s9  }
0x27: {  	s1 =	sld [smem:$0x3FB0]  }
0x28: {  	s2 =	sld [smem:$0x3FB1]  }
0x29: {  	s4 =	sld [smem:$0x3FB3]  }
0x2a: {  	p0 =	seq.s32 s5, $0x0;
	s5 =	sld [smem:$0x3FB4]  }
0x2b: {  	s6 =	sld [smem:$0x3FB5]  }
0x2c: {  	s7 =	sld [smem:$0x3FB6]  }
0x2d: {  	s3 =	simm.s32 $0x108;
	s8 =	sld [smem:$0x3FB7]  }
0x2e: {  	s3 =	simm.s32 @!p0 $0x1082;
	s9 =	sld [smem:$0x3FB8]  }
0x2f: {  	lr =	sadd.s32 s0, s3;
	s0 =	sld [smem:$0x3FAF]  }
0x30: {  	s3 =	sld [smem:$0x3FB2]  }
0x31: {  	[smem:$0x3FBB] =	sst s10  }
0x32: {  	s10 =	sld [smem:$0x3FB9];
	_ =	sdelay $0x3  }
0x33: {  	p0 =	seq.s32 s10, $0x1;
	s10 =	sld [smem:$0x3FBB];
	_ =	sdelay $0x3  }
0x34: {  	[smem:$0x3FBB] =	sst s10  }
0x35: {  	s10 =	sld [smem:$0x3FBA];
	_ =	sdelay $0x3  }
0x36: {  	p1 =	seq.s32 s10, $0x1;
	s10 =	sld [smem:$0x3FBB];
	_ =	sdelay $0x3  }
0x37: {  	[smem:$0x3FBB] =	sst s10  }
0x38: {  	s10 =	sld [smem:$0x3FBC]  }
0x39: {  	_ = 	snop;
	(pc) =	sbr.ind lr, $3  }
0x3a: {  	_ = 	snop  }
0x3b: {  	_ = 	snop  }
0x3c: {  	p2 =	seq.s32 s10, $0x1;
	s10 =	sld [smem:$0x3FBB]  }
0x3d: {  	_ =	shalt  }
0x3e: {  	_ =	shalt  }
0x3f: {  	_ =	shalt  }
0x40: {  	_ =	shalt  }
0x41: {  	_ =	shalt  }
0x42: {  	_ =	shalt  }
0x43: {  	_ =	shalt  }
0x44: {  	_ =	shalt  }
0x45: {  	_ =	shalt  }
0x46: {  	_ =	shalt  }
0x47: {  	_ =	shalt  }
0x48: {  	_ =	shalt  }
0x49: {  	_ =	shalt  }
0x4a: {  	_ =	shalt  }
0x4b: {  	_ =	shalt  }
0x4c: {  	_ =	shalt  }
0x4d: {  	_ =	shalt  }
0x4e: {  	_ =	shalt  }
0x4f: {  	_ =	shalt  }
0x50: {  	_ =	shalt  }
0x51: {  	_ =	shalt  }
0x52: {  	_ =	shalt  }
0x53: {  	_ =	shalt  }
0x54: {  	_ =	shalt  }
0x55: {  	_ =	shalt  }
0x56: {  	_ =	shalt  }
0x57: {  	_ =	shalt  }
0x58: {  	_ =	shalt  }
0x59: {  	_ =	shalt  }
0x5a: {  	_ =	shalt  }
0x5b: {  	_ =	shalt  }
0x5c: {  	_ =	shalt  }
0x5d: {  	_ =	shalt  }
0x5e: {  	_ =	shalt  }
0x5f: {  	_ =	shalt  }
0x60: {  	_ =	shalt  }
0x61: {  	_ =	shalt  }
0x62: {  	_ =	shalt  }
0x63: {  	_ =	shalt  }
0x64: {  	_ =	shalt  }
0x65: {  	_ =	shalt  }
0x66: {  	_ =	shalt  }
0x67: {  	_ =	shalt  }
0x68: {  	_ =	shalt  }
0x69: {  	_ =	shalt  }
0x6a: {  	_ =	shalt  }
0x6b: {  	_ =	shalt  }
0x6c: {  	_ =	shalt  }
0x6d: {  	_ =	shalt  }
0x6e: {  	_ =	shalt  }
0x6f: {  	_ =	shalt  }
0x70: {  	_ =	shalt  }
0x71: {  	_ =	shalt  }
0x72: {  	_ =	shalt  }
0x73: {  	_ =	shalt  }
0x74: {  	_ =	shalt  }
0x75: {  	_ =	shalt  }
0x76: {  	_ =	shalt  }
0x77: {  	_ =	shalt  }
0x78: {  	_ =	shalt  }
0x79: {  	_ =	shalt  }
0x7a: {  	_ =	shalt  }
0x7b: {  	_ =	shalt  }
0x7c: {  	_ =	shalt  }
0x7d: {  	_ =	shalt  }
0x7e: {  	_ =	shalt  }
0x7f: {  	_ =	shalt  }
0x80: {  	_ =	shalt  }
0x81: {  	_ =	shalt  }
0x82: {  	_ =	shalt  }
0x83: {  	_ =	shalt  }
0x84: {  	_ =	shalt  }
0x85: {  	_ =	shalt  }
0x86: {  	_ =	shalt  }
0x87: {  	_ =	shalt  }
.Lfunc_end0:
.L_simem_size_0:
called_computation_lowered:
.L_overlay_start_0:
0x88: {  	s2 =	sld [smem:$0x3FD9]  }
0x89: {  	s3 =	sld [smem:$0x3FFE];
	_ =	sdelay $0x1  }
0x8a: {  	s1 =	srdreg.scid  }
0x8b: {  	s0 =	sand.u32 $0x1, s1  }
0x8c: {  	s17 =	sshll.u32 s0, $0xA;
	s2 =	sadd.s32 s3, s2  }
0x8d: {  	s2 =	sadd.s32 s2, s17  }
0x8e: {  	[smem:$0x3FC7] =	sst s2  }
0x8f: {  	_ = 	snop  }
0x90: {  	s2 =	sld [smem:$0x3FC9];
	(tm) =	ssettm $0x1  }
0x91: {  	s18 =	sld [smem:$0x3FFB];
	_ =	sdelay $0x3  }
0x92: {  	_ =	strace s18  }
0x93: {  	s3 =	sld [smem:$0x3FFC];
	_ =	sdelay $0x3  }
0x94: {  	_ =	strace s3  }
0x95: {  	s3 =	sld [smem:$0x3FFD];
	_ =	sdelay $0x3  }
0x96: {  	_ =	strace s3  }
0x97: {  	_ =	strace $0x8FFFFFFF  }
0x98: {  	s19 =	sld [smem:$0x3FDB];
	_ =	sdelay $0x1  }
0x99: {  	s4 =	simm.s32 $_scs_section_size  }
0x9a: {  	s5 =	simm.s32 $_size__tile_overlayer_lowered;
	s6 =	simm.s32 $_tile_overlayer_lowered  }
0x9b: {  	s22 =	simm.s32 $0x1BFF;
	s21 =	sshll.u32 s6, $0x1;
	s3 =	sadd.s32 s4, s19  }
0x9c: {  	s7 =	simm.s32 $0x0;
	s20 =	sshll.u32 s5, $0x1;
	s5 =	sadd.s32 s21, s3  }
0x9d: {  	[timem:s7], [sflag:s22] =	dma.local [hbm:s5], s20  }
0x9e: {  	_ =	swait.ge [sflag:s22], s20  }
0x9f: {  	s4 =	ssub.s32 $0x0, s20;
	[sflag:s22] =	ssyncset.done $0x0  }
0xa0: {  	[sflag:s22] =	ssyncadd.s32 s4;
	_ =	sdelay $0x1  }
0xa1: {  	s23 =	simm.s32 $0x1B8B  }
0xa2: {  	_ =	swait.ge [sflag:s23], $0x1  }
0xa3: {  	[sflag:s23] =	ssyncset.done $0x0  }
0xa4: {  	s25 =	simm.s32 $0x1B8E;
	s24 =	sld [smem:$0x3FFE];
	[sflag:s23] =	ssyncadd.s32 $0xFFFFFFFF  }
0xa5: {  	s26 =	simm.s32 $execute0_lowered;
	[smem:$0x3FD2] =	sst s25  }
0xa6: {  	s5 =	sshll.u32 s26, $0x1;
	_ =	strace $0x80000046;
	[dreg:$0x1] =	wrdreg $0xFFFFFFFF  }
0xa7: {  	s28 =	simm.s32 $_size_execute0_lowered;
	s3 =	sadd.s32 s3, s5;
	[dreg:$0x0] =	wrdreg $0x0  }
0xa8: {  	s5 =	sshll.u32 s28, $0x1;
	[dreg:$0x2] =	wrdreg s3  }
0xa9: {  	[dreg:$0x3] =	wrdreg s5  }
0xaa: {  	[dreg:$0x4] =	wrdreg $0xC0  }
0xab: {  	_ =	task [dreg:s7], $0x5FFFF  }
0xac: {  	[dreg:$0x1] =	wrdreg $0xFFFFFFFF  }
0xad: {  	[dreg:$0x0] =	wrdreg $0x60  }
0xae: {  	[dreg:$0x2] =	wrdreg s2  }
0xaf: {  	[dreg:$0x3] =	wrdreg s24  }
0xb0: {  	[dreg:$0x4] =	wrdreg $0x9  }
0xb1: {  	_ =	task.clear_ibuf [dreg:s7], $0x5FFFF;
	_ =	strace $0x90000046  }
0xb2: {  	s29 =	simm.s32 $0x9;
	_ =	strace $0x80000048  }
0xb3: {  	_ =	swait.ge [sflag:s29], $0x1  }
0xb4: {  	[sflag:s29] =	ssyncadd.s32 $0xFFFFFFFF  }
0xb5: {  	_ =	strace $0x90000048  }
0xb6: {  	_ =	sfence  }
0xb7: {  	s30 =	sld [smem:$0x0];
	_ =	sdelay $0x2  }
0xb8: {  	s31 =	sshll.u32 s1, $0xD;
	s1 =	sshrl.u32 s1, $0x2  }
0xb9: {  	s3 =	sand.u32 $0x4000, s31;
	s1 =	sadd.s32 s1, s30  }
0xba: {  	s0 =	sor.u32 s3, s0;
	s1 =	sshll.u32 s1, $0x11  }
0xbb: {  	s0 =	sor.u32 s1, s0  }
0xbc: {  	s0 =	sadd.s32 $0x8F2B, s0  }
0xbd: {  	[sflag:s0] =	ssyncadd.remote.s32 $0x1  }
0xbe: {  	_ =	sfence.sel $0xFFFF  }
0xbf: {  	[dreg:$0x0] =	wrdreg $0xFFFFFFFF;
	(pc) =	sbr.abs _section_cstart, $3  }
0xc0: {  	[dreg:$0x1] =	wrdreg $0xFFFFFFFF  }
0xc1: {  	_ =	task.clear_ibuf [dreg:s7], $0x2FFFF;
	_ =	strace $0x9FFFFFFF  }
0xc2: {  	(tm) =	ssettm $0x7FFFFFFF  }
0xc3: {  	_ =	shalt  }
tec
execute0_lowered:
.L_overlay_start_1:
0x0: {  	(tag) =	ssettag $0x1  }
0x1: {  	v0 =	vlaneseq.u32  }
0x2: {  	v2 =	vimm.s32 $0xFEDCBA98;
	v6 =	vimm.s32 $0x76543210;
	v8 =	vimm.s32 $0x32107654  }
0x3: {  	s3 =	rddreg [dreg:$0x0];
	v9 =	vimm.s32 $0xDCFE98BA;
	v10 =	vimm.s32 $0x54761032;
	v11 =	vimm.s32 $0xEFCDAB89  }
0x4: {  	s4 =	rddreg [dreg:$0x1];
	v12 =	vimm.s32 $0x67452301;
	v1 =	vor.u32 $0x10, v0;
	v5 =	vunpack.c.l.s4.s8 v2  }
0x5: {  	s0 =	simm.s32 $0x0;
	s1 =	rddreg [dreg:$0x2];
	s5 =	srdreg.scid;
	v2 =	vor.u32 $0x20, v0;
	v3 =	vor.u32 $0x30, v0;
	v4 =	vor.u32 $0x40, v0  }
0x6: {  	s2 =	stileid.u32;
	s10 =	simm.s32 $0x2;
	s11 =	simm.s32 $0x0;
	v9 =	vunpack.c.l.s4.s8 v9;
	v10 =	vunpack.c.l.s4.s8 v10;
	v11 =	vunpack.c.l.s4.s8 v11  }
0x7: {  	[smem:$0x7FF] =	sst s0;
	s5 =	sand.u32 $0x1, s5;
	s7 =	sshll.u32 s2, $0x8;
	v12 =	vunpack.c.l.s4.s8 v12;
	v7 =	vunpack.c.0.s8.s32 v5;
	v5 =	vimm.s32 $0xBA98FEDC  }
0x8: {  	v8 =	vunpack.c.l.s4.s8 v8;
	s8 =	sshrl.u32 s2, $0x2;
	_ =	strace $0x80000047;
	s6 =	ssub.s32 $0x2, s5;
	v9 =	vunpack.c.0.s8.s32 v9;
	v5 =	vunpack.c.l.s4.s8 v5  }
0x9: {  	s5 =	sshll.u32 s5, $0x7;
	s7 =	sand.u32 $0x300, s7;
	s31 =	sshll.u32 s8, $0x12;
	v10 =	vunpack.c.0.s8.s32 v10;
	v11 =	vunpack.c.0.s8.s32 v11;
	v12 =	vunpack.c.0.s8.s32 v12  }
0xa: {  	v6 =	vunpack.c.l.s4.s8 v6;
	s8 =	sshll.u32 s8, $0xA;
	s5 =	sor.u32 s5, s7;
	v8 =	vunpack.c.0.s8.s32 v8;
	s9 =	sshrl.u32 s6, $0x1;
	v5 =	vunpack.c.0.s8.s32 v5  }
0xb: {  	s7 =	sor.u32 s31, s5;
	s5 =	sor.u32 s8, s5;
	s6 =	ssub.s32 s6, s9;
	v14 =	vand.u32 $0xF, v7;
	v10 =	vcombine.low v10, v9;
	v11 =	vcombine.low v12, v11  }
0xc: {  	s8 =	simm.s32 $0x1;
	s7 =	sshrl.u32 s7, $0x3;
	s5 =	sshrl.u32 s5, $0x3;
	v7 =	vor.u32 $0x70, v0;
	v13 =	vcombine.low v8, v5;
	v8 =	vunpack.c.0.s8.s32 v6  }
0xd: {  	s9 =	simm.s32 $0x8000;
	s3 =	sadd.s32 s3, s7;
	s4 =	sadd.s32 s4, s5;
	v10 =	vand.u32 $0xF, v10;
	v11 =	vand.u32 $0xF, v11;
	v5 =	vor.u32 $0x50, v0  }
0xe: {  	s5 =	smax.u32 s6, $0x1;
	s6 =	simm.s32 $0x80;
	s7 =	simm.s32 $0x400;
	v6 =	vor.u32 $0x60, v0;
	v8 =	vcombine.low v14, v8;
	v9 =	vand.u32 $0xF, v13  }
.LBB2_1:
0xf: {  	[tilespmem:s0], [sflag:$0x1] =	stream.strided.gather [hbm4b:s3+s6], $0x8000, s7, s6, $0x38;
	[tilespmem:$0x8080] =	vst v63  }
0x10: {  	_ =	swait.ge [sflag:s8], $0x8000  }
0x11: {  	[sflag:s8] =	ssyncset.done $0x0  }
0x12: {  	s12 =	simm.s32 $0x40;
	[sflag:s8] =	ssyncadd.s32 $0xFFFF8000  }
0x13: {  	v12 =	vld [tilespmem:s12+$0xFFFFFFC0]  }
0x14: {  	v13 =	vld [tilespmem:s12+$0xFFFFFFD0]  }
0x15: {  	v14 =	vld [tilespmem:s12+$0xFFFFFFE0]  }
0x16: {  	v15 =	vld [tilespmem:s12+$0xFFFFFFF0]  }
0x17: {  	v16 =	vld [tilespmem:s12+$0x0]  }
0x18: {  	v17 =	vld [tilespmem:s12+$0x10]  }
0x19: {  	v18 =	vld [tilespmem:s12+$0x20];
	_ =	sdelay $0x1  }
0x1a: {  	v21 =	vimm.f32 $+Inf;
	s13 =	simm.s32 $0xC0;
	v24 =	vld [tilespmem:s12+$0x30]  }
0x1b: {  	v27 =	vimm.s32 $0x0;
	v34 =	vld [tilespmem:s13+$0xFFFFFFC0];
	vm0 =	vlt.f32 v12, v21;
	vm1 =	vlt.f32 v13, v21  }
0x1c: {  	v26 =	vld [tilespmem:s13+$0xFFFFFFD0];
	vm2 =	vlt.f32 v14, v21;
	vm3 =	vlt.f32 v15, v21;
	vm4 =	vlt.f32 v16, v21  }
0x1d: {  	v33 =	vld [tilespmem:s13+$0xFFFFFFE0];
	vm5 =	vlt.f32 v17, v21;
	vm6 =	vlt.f32 v18, v21;
	v29 =	vsel vm0, v12, v21  }
0x1e: {  	v22 =	vld [tilespmem:s13+$0xFFFFFFF0];
	v31 =	vsel vm0, s0, v27;
	v28 =	vsel vm1, v13, v21;
	v25 =	vsel vm2, v14, v21  }
0x1f: {  	v20 =	vld [tilespmem:s13+$0x0];
	v23 =	vsel vm3, v15, v21;
	v19 =	vsel vm4, v16, v21;
	vm0 =	vlt.f32 v24, v21  }
0x20: {  	v16 =	vld [tilespmem:s13+$0x10];
	v17 =	vsel vm5, v17, v21;
	v13 =	vsel vm6, v18, v21;
	v35 =	vsel vm1, s0, v27  }
0x21: {  	s14 =	simm.s32 $0x2;
	v15 =	vld [tilespmem:s13+$0x20];
	v32 =	vsel vm2, s0, v27;
	v30 =	vsel vm3, s0, v27;
	v18 =	vsel vm6, s0, v27  }
0x22: {  	s15 =	simm.s32 $0x0;
	s12 =	simm.s32 $0x1;
	v14 =	vld [tilespmem:s13+$0x30];
	s13 =	simm.s32 $0x140;
	v12 =	vsel vm0, v24, v21;
	v24 =	vsel vm4, s0, v27;
	v21 =	vsel vm5, s0, v27  }
.LBB2_2:
0x23: {  	v36 =	vld [tilespmem:s13+$0xFFFFFFC0];
	p0 =	sne.s32 s14, $0xFF;
	vm1 =	vlt.f32 v34, v29;
	vm2 =	vlt.f32 v26, v28;
	v27 =	vsel vm0, s15, v27;
	s15 =	smov.u32 s12;
	s12 =	smov.u32 s14  }
0x24: {  	v29 =	vsel vm1, v34, v29;
	v31 =	vsel vm1, s15, v31;
	v28 =	vsel vm2, v26, v28;
	v26 =	vld [tilespmem:s13+$0xFFFFFFD0]  }
0x25: {  	vm3 =	vlt.f32 v22, v23;
	vm1 =	vlt.f32 v33, v25;
	vm4 =	vlt.f32 v20, v19;
	v37 =	vld [tilespmem:s13+$0xFFFFFFE0]  }
.Ltmp0:
0x26: {  	v23 =	vsel vm3, v22, v23;
	v25 =	vsel vm1, v33, v25;
	v19 =	vsel vm4, v20, v19;
	v22 =	vld [tilespmem:s13+$0xFFFFFFF0];
	(pc) =	sbr.rel @p0 .LBB2_2-.Ltmp0, $4  }
0x27: {  	vm5 =	vlt.f32 v16, v17;
	vm6 =	vlt.f32 v15, v13;
	v20 =	vld [tilespmem:s13+$0x0];
	vm0 =	vlt.f32 v14, v12  }
0x28: {  	v17 =	vsel vm5, v16, v17;
	v13 =	vsel vm6, v15, v13;
	v16 =	vld [tilespmem:s13+$0x10];
	v12 =	vsel vm0, v14, v12;
	v34 =	vmovc v36  }
0x29: {  	v35 =	vsel vm2, s15, v35;
	v30 =	vsel vm3, s15, v30;
	v32 =	vsel vm1, s15, v32;
	v15 =	vld [tilespmem:s13+$0x20]  }
0x2a: {  	s14 =	sadd.s32 $0x1, s14;
	v24 =	vsel vm4, s15, v24;
	v21 =	vsel vm5, s15, v21;
	v18 =	vsel vm6, s15, v18;
	v14 =	vld [tilespmem:s13+$0x30];
	s13 =	sadd.s32 $0x80, s13;
	v33 =	vmovc v37  }
0x2b: {  	vm1 =	vlt.f32 v34, v29;
	vm2 =	vlt.f32 v26, v28  }
0x2c: {  	v27 =	vsel vm0, s15, v27;
	v31 =	vsel vm1, s12, v31;
	v35 =	vsel vm2, s12, v35  }
0x2d: {  	v29 =	vsel vm1, v34, v29;
	v31 =	vshll.u32 v31, $0x7;
	v50 =	vshll.u32 v35, $0x7  }
0x2e: {  	v26 =	vsel vm2, v26, v28;
	v51 =	vor.u32 v0, v31;
	v52 =	vor.u32 v1, v50  }
0x2f: {  	vm15 =	vlt.f32 v33, v25;
	vm1 =	veq.f32 v26, v29;
	vm6 =	vlt.s32 v52, v51  }
0x30: {  	v32 =	vsel vm15, s12, v32;
	vm3 =	vlt.f32 v26, v29;
	vm1 =	vmand vm1, vm6  }
0x31: {  	v25 =	vsel vm15, v33, v25;
	v32 =	vshll.u32 v32, $0x7;
	vm7 =	vmor vm3, vm1  }
0x32: {  	v53 =	vor.u32 v2, v32;
	v26 =	vsel vm7, v26, v29;
	v28 =	vsel vm7, v52, v51  }
0x33: {  	vm8 =	vlt.f32 v22, v23;
	vm9 =	veq.f32 v25, v26;
	vm10 =	vlt.s32 v53, v28  }
0x34: {  	v30 =	vsel vm8, s12, v30;
	vm11 =	vlt.f32 v25, v26;
	vm1 =	vmand vm9, vm10  }
0x35: {  	v22 =	vsel vm8, v22, v23;
	v54 =	vshll.u32 v30, $0x7;
	vm12 =	vmor vm11, vm1  }
0x36: {  	v23 =	vor.u32 v3, v54;
	v25 =	vsel vm12, v25, v26;
	v55 =	vsel vm12, v53, v28  }
0x37: {  	vm13 =	vlt.f32 v20, v19;
	vm14 =	veq.f32 v22, v25;
	vm15 =	vlt.s32 v23, v55  }
0x38: {  	v24 =	vsel vm13, s12, v24;
	vm6 =	vlt.f32 v22, v25;
	vm1 =	vmand vm14, vm15  }
0x39: {  	v19 =	vsel vm13, v20, v19;
	v56 =	vshll.u32 v24, $0x7;
	vm7 =	vmor vm6, vm1  }
0x3a: {  	v20 =	vor.u32 v4, v56;
	v22 =	vsel vm7, v22, v25;
	v23 =	vsel vm7, v23, v55  }
0x3b: {  	vm8 =	vlt.f32 v16, v17;
	vm9 =	veq.f32 v19, v22;
	vm10 =	vlt.s32 v20, v23  }
0x3c: {  	v21 =	vsel vm8, s12, v21;
	vm11 =	vlt.f32 v19, v22;
	vm1 =	vmand vm9, vm10  }
0x3d: {  	v16 =	vsel vm8, v16, v17;
	v57 =	vshll.u32 v21, $0x7;
	vm12 =	vmor vm11, vm1  }
0x3e: {  	v17 =	vor.u32 v5, v57;
	v19 =	vsel vm12, v19, v22;
	v20 =	vsel vm12, v20, v23  }
0x3f: {  	vm13 =	vlt.f32 v15, v13;
	vm14 =	veq.f32 v16, v19;
	vm15 =	vlt.s32 v17, v20  }
0x40: {  	v18 =	vsel vm13, s12, v18;
	vm6 =	vlt.f32 v16, v19;
	vm1 =	vmand vm14, vm15  }
0x41: {  	v13 =	vsel vm13, v15, v13;
	v58 =	vshll.u32 v18, $0x7;
	vm7 =	vmor vm6, vm1  }
0x42: {  	v15 =	vor.u32 v6, v58;
	v16 =	vsel vm7, v16, v19;
	v17 =	vsel vm7, v17, v20  }
0x43: {  	vm8 =	vlt.f32 v14, v12;
	vm9 =	veq.f32 v13, v16;
	vm10 =	vlt.s32 v15, v17  }
0x44: {  	v59 =	vsel vm8, s12, v27;
	vm11 =	vlt.f32 v13, v16;
	vm1 =	vmand vm9, vm10  }
0x45: {  	v12 =	vsel vm8, v14, v12;
	v60 =	vshll.u32 v59, $0x7;
	vm12 =	vmor vm11, vm1  }
0x46: {  	v14 =	vor.u32 v7, v60;
	v13 =	vsel vm12, v13, v16;
	v15 =	vsel vm12, v15, v17  }
0x47: {  	vm13 =	veq.f32 v12, v13;
	vm14 =	vlt.s32 v14, v15  }
0x48: {  	vm15 =	vlt.f32 v12, v13;
	vm0 =	vmand vm13, vm14  }
0x49: {  	vm0 =	vmor vm15, vm0  }
0x4a: {  	v12 =	vsel vm0, v12, v13;
	v61 =	vsel vm0, v14, v15  }
0x4b: {  	v62 =	vperm.xlane v12, v8;
	v15 =	vperm.xlane v61, v8;
	_ =	sdelay $0x1  }
0x4c: {  	vm4 =	veq.f32 v62, v12;
	vm5 =	vlt.s32 v15, v61  }
0x4d: {  	vm6 =	vlt.f32 v62, v12;
	vm0 =	vmand vm4, vm5  }
0x4e: {  	vm0 =	vmor vm6, vm0  }
0x4f: {  	v12 =	vsel vm0, v62, v12;
	v13 =	vsel vm0, v15, v61  }
0x50: {  	v14 =	vperm.xlane v12, v9;
	v15 =	vperm.xlane v13, v9;
	_ =	sdelay $0x1  }
0x51: {  	vm7 =	veq.f32 v14, v12;
	vm8 =	vlt.s32 v15, v13  }
0x52: {  	vm9 =	vlt.f32 v14, v12;
	vm0 =	vmand vm7, vm8  }
0x53: {  	vm0 =	vmor vm9, vm0  }
0x54: {  	v12 =	vsel vm0, v14, v12;
	v13 =	vsel vm0, v15, v13  }
0x55: {  	v14 =	vperm.xlane v12, v10;
	v15 =	vperm.xlane v13, v10;
	_ =	sdelay $0x1  }
0x56: {  	vm10 =	veq.f32 v14, v12;
	vm11 =	vlt.s32 v15, v13  }
0x57: {  	vm12 =	vlt.f32 v14, v12;
	vm0 =	vmand vm10, vm11  }
0x58: {  	vm0 =	vmor vm12, vm0  }
0x59: {  	v12 =	vsel vm0, v14, v12;
	v13 =	vsel vm0, v15, v13  }
0x5a: {  	v14 =	vperm.xlane v12, v11;
	v15 =	vperm.xlane v13, v11;
	_ =	sdelay $0x1  }
0x5b: {  	vm13 =	veq.f32 v14, v12;
	vm14 =	vlt.s32 v15, v13  }
0x5c: {  	vm15 =	vlt.f32 v14, v12;
	vm0 =	vmand vm13, vm14  }
0x5d: {  	s11 =	sadd.s32 $0x1, s11;
	vm0 =	vmor vm15, vm0  }
0x5e: {  	p0 =	sne.s32 s11, s5;
	v63 =	vsel vm0, v15, v13  }
.Ltmp1:
0x5f: {  	[tilespmem:$0x8000] =	vst v63;
	(pc) =	sbr.rel @p0 .LBB2_1-.Ltmp1, $4  }
0x60: {  	[hbm4b:s4+s0] =	stream.linear.scatter [tilespmem:s9], [sflag:$0x2], $0x80, $0x38;
	[tilespmem:$0x8080] =	vst v63  }
0x61: {  	_ =	swait.ge [sflag:s10], $0x80  }
0x62: {  	[sflag:s10] =	ssyncset.done $0x0  }
0x63: {  	[sflag:s10] =	ssyncadd.s32 $0xFFFFFF80  }
0x64: {  	_ =	sfence.sel $0x180000  }
0x65: {  	[bflag:$0x0] =	sbarrier.arrive $0xFFFF  }
0x66: {  	p0 =	sne.s32 s2, $0x0;
	_ =	strace $0x90000047  }
0x67: {  	s0 =	sadd.s32 @!p0 $0x100000, s1;
	[bflag:$0x2] =	sbarrier.arrive $0xFFFF  }
0x68: {  	[sflag:s0] =	ssyncadd.tile.s32 @!p0 $0x1;
	_ =	shalt  }
.Lfunc_end2:
_tile_overlayer_lowered:
.L_overlay_start_2:
0x69: {  	(tag) =	ssettag $0x2  }
0x6a: {  	s0 =	rddreg [dreg:$0x0];
	s2 =	stileid.u32  }
0x6b: {  	s1 =	rddreg [dreg:$0x1];
	p0 =	sne.s32 s2, $0x0  }
0x6c: {  	s3 =	rddreg [dreg:$0x2];
	[bflag:$0x3] =	sbarrier.arrive $0xFFFF;
	s2 =	simm.s32 @!p0 $0x1C02  }
0x6d: {  	[timem:s3], [sflag:s2] =	dma.local @!p0 [hbm:s0], s1  }
0x6e: {  	s0 =	simm.s32 @!p0 $0x2  }
0x6f: {  	_ =	swait.ge @!p0 [sflag:s0], s1  }
0x70: {  	s1 =	ssub.s32 @!p0 $0x0, s1;
	[sflag:s0] =	ssyncset.done @!p0 $0x0  }
0x71: {  	[sflag:s0] =	ssyncadd.s32 @!p0 s1  }
0x72: {  	[bflag:$0x3] =	sbarrier.arrive $0xFFFF  }
0x73: {  	_ =	shalt  }

</sc_bundles>
